<compile_context>
chip_gen: v7x
topology: tpu7x:2x2x1
jax: 0.10.2.dev20260603
libtpu: 0.0.44.dev20260713+nightly
codegen_flags: <defaults>
</compile_context>

<pallas_src>
import dataclasses
import functools

import jax
import jax.numpy as jnp
from jax import lax
from jax.experimental import pallas as pl
from jax.experimental.pallas import tpu as pltpu
from jax.experimental.pallas import tpu_sc as plsc

B = 16384
L = 20
EMB = 32
VOCAB = 1000000
PACK = 128 // EMB
N = B * L

NC = 2
NS = 16
NW = NC * NS
LK_PER_W = N // NW
B_PER_W = B // NW
CHUNK = 80
CBATCH = CHUNK // L
N_CHUNKS = LK_PER_W // CHUNK
LANES = 16


def _compiler_params():
    cp = pltpu.CompilerParams()
    if "needs_layout_passes" in pltpu.CompilerParams.__dataclass_fields__:
        cp = dataclasses.replace(cp, needs_layout_passes=False)
    return cp


def _sc_gather(packed, indices):
    mesh = plsc.VectorSubcoreMesh(core_axis_name="c", subcore_axis_name="s")

    @functools.partial(
        pl.kernel,
        mesh=mesh,
        compiler_params=_compiler_params(),
        out_type=jax.ShapeDtypeStruct((B, L, EMB), jnp.float32),
        scratch_types=[
            pltpu.VMEM((LK_PER_W,), jnp.int32),
            pltpu.VMEM((LK_PER_W,), jnp.int32),
            pltpu.VMEM((CHUNK, 128), jnp.float32),
            pltpu.VMEM((CHUNK, 128), jnp.float32),
            pltpu.VMEM((CHUNK, EMB), jnp.float32),
            pltpu.VMEM((CHUNK, EMB), jnp.float32),
            pltpu.SemaphoreType.DMA,
            pltpu.SemaphoreType.DMA,
            pltpu.SemaphoreType.DMA,
            pltpu.SemaphoreType.DMA,
        ],
    )
    def k(tbl_hbm, idx_hbm, out_hbm, idx_v, pidx_v, b0, b1, o0, o1,
          g0, g1, s0, s1):
        wid = lax.axis_index("s") * NC + lax.axis_index("c")
        lbase = wid * LK_PER_W
        bbase = wid * B_PER_W

        bufs = (b0, b1)
        outs = (o0, o1)
        gsems = (g0, g1)
        ssems = (s0, s1)

        pltpu.sync_copy(idx_hbm.at[pl.ds(lbase, LK_PER_W)], idx_v)

        @pl.loop(0, LK_PER_W, step=LANES)
        def _(i):
            pidx_v[pl.ds(i, LANES)] = idx_v[pl.ds(i, LANES)] >> 2

        def start_gather(c, p):
            pltpu.make_async_copy(
                tbl_hbm.at[pidx_v.at[pl.ds(c * CHUNK, CHUNK)]],
                bufs[p], gsems[p],
            ).start()

        def wait_gather(c, p):
            pltpu.make_async_copy(
                tbl_hbm.at[pidx_v.at[pl.ds(c * CHUNK, CHUNK)]],
                bufs[p], gsems[p],
            ).wait()

        def start_store(c, p):
            for bb in range(CBATCH):
                pltpu.make_async_copy(
                    outs[p].at[pl.ds(bb * L, L)],
                    out_hbm.at[bbase + c * CBATCH + bb],
                    ssems[p],
                ).start()

        def wait_store(c, p):
            for bb in range(CBATCH):
                pltpu.make_async_copy(
                    outs[p].at[pl.ds(bb * L, L)],
                    out_hbm.at[bbase + c * CBATCH + bb],
                    ssems[p],
                ).wait()

        def select(c, p):
            buf, o = bufs[p], outs[p]

            @pl.loop(0, CHUNK, step=LANES)
            def _(t):
                colb = (idx_v[pl.ds(c * CHUNK + t, LANES)] & 3) * EMB
                for j in range(LANES):
                    q = colb[j]
                    r = t + j
                    o[r, pl.ds(0, LANES)] = buf[r, pl.ds(q, LANES)]
                    o[r, pl.ds(LANES, LANES)] = buf[r, pl.ds(q + LANES, LANES)]

        start_gather(0, 0)
        start_gather(1, 1)

        @pl.loop(0, N_CHUNKS // 2)
        def _(c2):
            for p in range(2):
                c = c2 * 2 + p
                wait_gather(c, p)

                @pl.when(c2 > 0)
                def _():
                    wait_store(c - 2, p)

                select(c, p)
                start_store(c, p)

                @pl.when(c + 2 < N_CHUNKS)
                def _():
                    start_gather(c + 2, p)

        wait_store(N_CHUNKS - 2, 0)
        wait_store(N_CHUNKS - 1, 1)

    return k(packed, indices)


def kernel(x, table):
    indices = x.reshape(N).astype(jnp.int32)
    packed = table.reshape(VOCAB // PACK, PACK * EMB)
    return _sc_gather(packed, indices)

# --- scband reference (transcript-rebuilt; emitter-appended) ---
"""Pipeline reference for scband-word-embedder-24300924961089 (READ-ONLY COPY).

The authoritative reference and input builder live on the scoring server;
editing this copy changes nothing except your own understanding.
"""

import jax, jax.numpy as jnp
import numpy as np

VOCAB = 1000000
EMB = 32
B = 16384
L = 20


def setup_inputs(seed: int = 0) -> dict:
    key = jax.random.key(seed)
    k1, k2 = jax.random.split(key)
    x = jax.random.randint(k1, (B, L), 0, VOCAB)
    table = jax.random.normal(k2, (VOCAB, EMB), dtype=jnp.float32)
    # padding_idx=0: row 0 is initialized to zeros in nn.Embedding
    table = table.at[0].set(0.0)
    return {"x": x, "table": table}


def reference(x, table):
    # nn.Embedding with padding_idx=0: row 0 contributes zeros
    t = table.at[0].set(0.0)
    return jnp.take(t, x, axis=0)

if __name__ == "__main__":
    import jax
    _d = setup_inputs()
    print(jax.jit(kernel)(*tuple(_d.values())))

</pallas_src>

<mosaic_0001>
#map = affine_map<(d0, d1) -> (0, 0)>
#map1 = affine_map<(d0, d1) -> (0)>
#map2 = affine_map<(d0, d1) -> (0, 0, 0)>
module attributes {stable_mosaic.version = 14 : i64} {
  func.func @k(%arg0: i32, %arg1: i32, %arg2: memref<250000x128xf32, #tpu.memory_space<hbm>>, %arg3: memref<327680xi32, #tpu.memory_space<hbm>>, %arg4: memref<16384x20x32xf32, #tpu.memory_space<hbm>>, %arg5: memref<10240xi32, #tpu.memory_space<vmem>>, %arg6: memref<10240xi32, #tpu.memory_space<vmem>>, %arg7: memref<80x128xf32, #tpu.memory_space<vmem>>, %arg8: memref<80x128xf32, #tpu.memory_space<vmem>>, %arg9: memref<80x32xf32, #tpu.memory_space<vmem>>, %arg10: memref<80x32xf32, #tpu.memory_space<vmem>>, %arg11: memref<!tpu.dma_semaphore, #tpu.memory_space<semaphore_mem>>, %arg12: memref<!tpu.dma_semaphore, #tpu.memory_space<semaphore_mem>>, %arg13: memref<!tpu.dma_semaphore, #tpu.memory_space<semaphore_mem>>, %arg14: memref<!tpu.dma_semaphore, #tpu.memory_space<semaphore_mem>>) attributes {dimension_semantics = [#tpu.dimension_semantics<core_parallel>, #tpu.dimension_semantics<subcore_parallel>], iteration_bounds = array<i64: 2, 16>, scalar_prefetch = 0 : i64, scratch_operands = 10 : i64, tpu.core_type = #tpu.core_type<sc_vector_subcore>, window_params = [{transform_indices = #map}, {transform_indices = #map1}, {transform_indices = #map2}]} {
    %mul3A = arith.constant 2 : i32
    %mul3A_0 = arith.muli %arg1, %mul3A : i32
    %add3A = arith.addi %mul3A_0, %arg0 : i32
    %mul3A_1 = arith.constant 10240 : i32
    %mul3A_2 = arith.muli %add3A, %mul3A_1 : i32
    %mul3A_3 = arith.constant 512 : i32
    %mul3A_4 = arith.muli %add3A, %mul3A_3 : i32
    "tpu.region"() ({
      %run_scoped3A = tpu.sem_alloc : memref<!tpu.dma_semaphore, #tpu.memory_space<semaphore_mem>>
      %dma_start3A_166 = tpu.memref_slice %arg3[%mul3A_2] : memref<327680xi32, #tpu.memory_space<hbm>> -> memref<10240xi32, #tpu.memory_space<hbm>>
      %dma_start3A_167 = tpu.memref_slice %arg3[%mul3A_2] : memref<327680xi32, #tpu.memory_space<hbm>> -> memref<10240xi32, #tpu.memory_space<hbm>>
      tpu.enqueue_dma source(%dma_start3A_167 : memref<10240xi32, #tpu.memory_space<hbm>>) target(%arg5 : memref<10240xi32, #tpu.memory_space<vmem>>) target_semaphore(%run_scoped3A : memref<!tpu.dma_semaphore, #tpu.memory_space<semaphore_mem>>)
      %dma_wait3A_168 = tpu.memref_slice %arg3[%mul3A_2] : memref<327680xi32, #tpu.memory_space<hbm>> -> memref<10240xi32, #tpu.memory_space<hbm>>
      %dma_wait3A_169 = tpu.memref_slice %arg3[%mul3A_2] : memref<327680xi32, #tpu.memory_space<hbm>> -> memref<10240xi32, #tpu.memory_space<hbm>>
      tpu.wait_dma2 semaphore(%run_scoped3A : memref<!tpu.dma_semaphore, #tpu.memory_space<semaphore_mem>>) src(%dma_wait3A_169 : memref<10240xi32, #tpu.memory_space<hbm>>) dst(%arg5 : memref<10240xi32, #tpu.memory_space<vmem>>)
      tpu.yield
    }) : () -> ()
    %scan3A = arith.constant 0 : i32
    %scan3A_5 = arith.constant 640 : i32
    %scan3A_6 = arith.addi %scan3A, %scan3A_5 : i32
    %scan3A_7 = arith.constant 1 : i32
    scf.for %scan3A_166 = %scan3A to %scan3A_6 step %scan3A_7  : i32 {
      %mul3A_167 = arith.constant 16 : i32
      %mul3A_168 = arith.muli %scan3A_166, %mul3A_167 : i32
      %add3A_169 = arith.constant 0 : i32
      %add3A_170 = arith.addi %add3A_169, %mul3A_168 : i32
      %get3A = arith.index_cast %add3A_170 : i32 to index
      %get3A_171 = tpu.vector_load %arg5[%get3A] {strides = array<i32>} : memref<10240xi32, #tpu.memory_space<vmem>>, vector<16xi32>,
      %shift_right_arithmetic3A = arith.constant 2 : i32
      %shift_right_arithmetic3A_172 = vector.broadcast %shift_right_arithmetic3A : i32 to vector<16xi32>
      %shift_right_arithmetic3A_173 = arith.shrsi %get3A_171, %shift_right_arithmetic3A_172 : vector<16xi32>
      %swap3A = arith.index_cast %add3A_170 : i32 to index
      %swap3A_174 = tpu.vector_load %arg6[%swap3A] {strides = array<i32>} : memref<10240xi32, #tpu.memory_space<vmem>>, vector<16xi32>,
      tpu.vector_store %arg6[%swap3A], %shift_right_arithmetic3A_173 {strides = array<i32>} : memref<10240xi32, #tpu.memory_space<vmem>>, vector<16xi32>,
    }
    %scan3A_8 = arith.constant 640 : i32
    %dma_start3A = arith.constant 0 : i32
    %dma_start3A_9 = tpu.memref_slice %arg6[%dma_start3A] : memref<10240xi32, #tpu.memory_space<vmem>> -> memref<80xi32, #tpu.memory_space<vmem>>
    %dma_start3A_10 = arith.constant 0 : i32
    %dma_start3A_11 = arith.constant 0 : i32
    %dma_start3A_12 = tpu.memref_slice %arg2[%dma_start3A_10, %dma_start3A_11] : memref<250000x128xf32, #tpu.memory_space<hbm>> -> memref<250000x128xf32, #tpu.memory_space<hbm>>
    tpu.enqueue_indirect_dma source(%dma_start3A_12 : memref<250000x128xf32, #tpu.memory_space<hbm>>) target(%arg7 : memref<80x128xf32, #tpu.memory_space<vmem>>) offsets(%dma_start3A_9 : memref<80xi32, #tpu.memory_space<vmem>>) semaphore(%arg11 : memref<!tpu.dma_semaphore, #tpu.memory_space<semaphore_mem>>)
    %dma_start3A_13 = arith.constant 80 : i32
    %dma_start3A_14 = tpu.memref_slice %arg6[%dma_start3A_13] : memref<10240xi32, #tpu.memory_space<vmem>> -> memref<80xi32, #tpu.memory_space<vmem>>
    %dma_start3A_15 = arith.constant 0 : i32
    %dma_start3A_16 = arith.constant 0 : i32
    %dma_start3A_17 = tpu.memref_slice %arg2[%dma_start3A_15, %dma_start3A_16] : memref<250000x128xf32, #tpu.memory_space<hbm>> -> memref<250000x128xf32, #tpu.memory_space<hbm>>
    tpu.enqueue_indirect_dma source(%dma_start3A_17 : memref<250000x128xf32, #tpu.memory_space<hbm>>) target(%arg8 : memref<80x128xf32, #tpu.memory_space<vmem>>) offsets(%dma_start3A_14 : memref<80xi32, #tpu.memory_space<vmem>>) semaphore(%arg12 : memref<!tpu.dma_semaphore, #tpu.memory_space<semaphore_mem>>)
    %scan3A_18 = arith.constant 0 : i32
    %scan3A_19 = arith.constant 64 : i32
    %scan3A_20 = arith.addi %scan3A_18, %scan3A_19 : i32
    %scan3A_21 = arith.constant 1 : i32
    scf.for %scan3A_166 = %scan3A_18 to %scan3A_20 step %scan3A_21  : i32 {
      %mul3A_167 = arith.constant 1 : i32
      %mul3A_168 = arith.muli %scan3A_166, %mul3A_167 : i32
      %add3A_169 = arith.constant 0 : i32
      %add3A_170 = arith.addi %add3A_169, %mul3A_168 : i32
      %mul3A_171 = arith.constant 2 : i32
      %mul3A_172 = arith.muli %add3A_170, %mul3A_171 : i32
      %add3A_173 = arith.constant 0 : i32
      %add3A_174 = arith.addi %mul3A_172, %add3A_173 : i32
      %mul3A_175 = arith.constant 80 : i32
      %mul3A_176 = arith.muli %add3A_174, %mul3A_175 : i32
      %dma_wait3A_177 = tpu.memref_slice %arg6[%mul3A_176] : memref<10240xi32, #tpu.memory_space<vmem>> -> memref<80xi32, #tpu.memory_space<vmem>>
      %dma_wait3A_178 = arith.constant 0 : i32
      %dma_wait3A_179 = arith.constant 0 : i32
      %dma_wait3A_180 = tpu.memref_slice %arg2[%dma_wait3A_178, %dma_wait3A_179] : memref<250000x128xf32, #tpu.memory_space<hbm>> -> memref<250000x128xf32, #tpu.memory_space<hbm>>
      tpu.wait_indirect_dma semaphore(%arg11 : memref<!tpu.dma_semaphore, #tpu.memory_space<semaphore_mem>>) src(%dma_wait3A_180 : memref<250000x128xf32, #tpu.memory_space<hbm>>) dst(%arg7 : memref<80x128xf32, #tpu.memory_space<vmem>>)
      %gt3A = arith.constant 0 : i32
      %gt3A_181 = arith.cmpi sgt, %add3A_170, %gt3A : i32
      %convert_element_type3A = arith.extui %gt3A_181 : i1 to i32
      %cond3A = arith.constant 0 : i32
      %cond3A_182 = arith.cmpi ne, %convert_element_type3A, %cond3A : i32
      scf.if %cond3A_182 {
        %sub3A = arith.constant 2 : i32
        %sub3A_373 = arith.subi %add3A_174, %sub3A : i32
        %mul3A_374 = arith.constant 4 : i32
        %mul3A_375 = arith.muli %sub3A_373, %mul3A_374 : i32
        %add3A_376 = arith.addi %mul3A_4, %mul3A_375 : i32
        %add3A_377 = arith.constant 0 : i32
        %add3A_378 = arith.addi %add3A_376, %add3A_377 : i32
        %dma_wait3A_379 = arith.constant 0 : i32
        %dma_wait3A_380 = arith.constant 0 : i32
        %dma_wait3A_381 = tpu.memref_slice %arg9[%dma_wait3A_379, %dma_wait3A_380] : memref<80x32xf32, #tpu.memory_space<vmem>> -> memref<20x32xf32, #tpu.memory_space<vmem>>
        %dma_wait3A_382 = arith.constant 0 : i32
        %dma_wait3A_383 = arith.constant 0 : i32
        %dma_wait3A_384 = tpu.memref_slice %arg4[%add3A_378, %dma_wait3A_382, %dma_wait3A_383] : memref<16384x20x32xf32, #tpu.memory_space<hbm>> -> memref<1x20x32xf32, #tpu.memory_space<hbm>>
        %dma_wait3A_385 = tpu.memref_squeeze %dma_wait3A_384 : memref<1x20x32xf32, #tpu.memory_space<hbm>> -> memref<20x32xf32, #tpu.memory_space<hbm>>
        %dma_wait3A_386 = arith.constant 0 : i32
        %dma_wait3A_387 = arith.constant 0 : i32
        %dma_wait3A_388 = tpu.memref_slice %arg4[%add3A_378, %dma_wait3A_386, %dma_wait3A_387] : memref<16384x20x32xf32, #tpu.memory_space<hbm>> -> memref<1x20x32xf32, #tpu.memory_space<hbm>>
        %dma_wait3A_389 = tpu.memref_squeeze %dma_wait3A_388 : memref<1x20x32xf32, #tpu.memory_space<hbm>> -> memref<20x32xf32, #tpu.memory_space<hbm>>
        %dma_wait3A_390 = arith.constant 0 : i32
        %dma_wait3A_391 = arith.constant 0 : i32
        %dma_wait3A_392 = tpu.memref_slice %arg9[%dma_wait3A_390, %dma_wait3A_391] : memref<80x32xf32, #tpu.memory_space<vmem>> -> memref<20x32xf32, #tpu.memory_space<vmem>>
        tpu.wait_dma2 semaphore(%arg13 : memref<!tpu.dma_semaphore, #tpu.memory_space<semaphore_mem>>) src(%dma_wait3A_392 : memref<20x32xf32, #tpu.memory_space<vmem>>) dst(%dma_wait3A_389 : memref<20x32xf32, #tpu.memory_space<hbm>>)
        %mul3A_393 = arith.constant 4 : i32
        %mul3A_394 = arith.muli %sub3A_373, %mul3A_393 : i32
        %add3A_395 = arith.addi %mul3A_4, %mul3A_394 : i32
        %add3A_396 = arith.constant 1 : i32
        %add3A_397 = arith.addi %add3A_395, %add3A_396 : i32
        %dma_wait3A_398 = arith.constant 20 : i32
        %dma_wait3A_399 = arith.constant 0 : i32
        %dma_wait3A_400 = tpu.memref_slice %arg9[%dma_wait3A_398, %dma_wait3A_399] : memref<80x32xf32, #tpu.memory_space<vmem>> -> memref<20x32xf32, #tpu.memory_space<vmem>>
        %dma_wait3A_401 = arith.constant 0 : i32
        %dma_wait3A_402 = arith.constant 0 : i32
        %dma_wait3A_403 = tpu.memref_slice %arg4[%add3A_397, %dma_wait3A_401, %dma_wait3A_402] : memref<16384x20x32xf32, #tpu.memory_space<hbm>> -> memref<1x20x32xf32, #tpu.memory_space<hbm>>
        %dma_wait3A_404 = tpu.memref_squeeze %dma_wait3A_403 : memref<1x20x32xf32, #tpu.memory_space<hbm>> -> memref<20x32xf32, #tpu.memory_space<hbm>>
        %dma_wait3A_405 = arith.constant 0 : i32
        %dma_wait3A_406 = arith.constant 0 : i32
        %dma_wait3A_407 = tpu.memref_slice %arg4[%add3A_397, %dma_wait3A_405, %dma_wait3A_406] : memref<16384x20x32xf32, #tpu.memory_space<hbm>> -> memref<1x20x32xf32, #tpu.memory_space<hbm>>
        %dma_wait3A_408 = tpu.memref_squeeze %dma_wait3A_407 : memref<1x20x32xf32, #tpu.memory_space<hbm>> -> memref<20x32xf32, #tpu.memory_space<hbm>>
        %dma_wait3A_409 = arith.constant 20 : i32
        %dma_wait3A_410 = arith.constant 0 : i32
        %dma_wait3A_411 = tpu.memref_slice %arg9[%dma_wait3A_409, %dma_wait3A_410] : memref<80x32xf32, #tpu.memory_space<vmem>> -> memref<20x32xf32, #tpu.memory_space<vmem>>
        tpu.wait_dma2 semaphore(%arg13 : memref<!tpu.dma_semaphore, #tpu.memory_space<semaphore_mem>>) src(%dma_wait3A_411 : memref<20x32xf32, #tpu.memory_space<vmem>>) dst(%dma_wait3A_408 : memref<20x32xf32, #tpu.memory_space<hbm>>)
        %mul3A_412 = arith.constant 4 : i32
        %mul3A_413 = arith.muli %sub3A_373, %mul3A_412 : i32
        %add3A_414 = arith.addi %mul3A_4, %mul3A_413 : i32
        %add3A_415 = arith.constant 2 : i32
        %add3A_416 = arith.addi %add3A_414, %add3A_415 : i32
        %dma_wait3A_417 = arith.constant 40 : i32
        %dma_wait3A_418 = arith.constant 0 : i32
        %dma_wait3A_419 = tpu.memref_slice %arg9[%dma_wait3A_417, %dma_wait3A_418] : memref<80x32xf32, #tpu.memory_space<vmem>> -> memref<20x32xf32, #tpu.memory_space<vmem>>
        %dma_wait3A_420 = arith.constant 0 : i32
        %dma_wait3A_421 = arith.constant 0 : i32
        %dma_wait3A_422 = tpu.memref_slice %arg4[%add3A_416, %dma_wait3A_420, %dma_wait3A_421] : memref<16384x20x32xf32, #tpu.memory_space<hbm>> -> memref<1x20x32xf32, #tpu.memory_space<hbm>>
        %dma_wait3A_423 = tpu.memref_squeeze %dma_wait3A_422 : memref<1x20x32xf32, #tpu.memory_space<hbm>> -> memref<20x32xf32, #tpu.memory_space<hbm>>
        %dma_wait3A_424 = arith.constant 0 : i32
        %dma_wait3A_425 = arith.constant 0 : i32
        %dma_wait3A_426 = tpu.memref_slice %arg4[%add3A_416, %dma_wait3A_424, %dma_wait3A_425] : memref<16384x20x32xf32, #tpu.memory_space<hbm>> -> memref<1x20x32xf32, #tpu.memory_space<hbm>>
        %dma_wait3A_427 = tpu.memref_squeeze %dma_wait3A_426 : memref<1x20x32xf32, #tpu.memory_space<hbm>> -> memref<20x32xf32, #tpu.memory_space<hbm>>
        %dma_wait3A_428 = arith.constant 40 : i32
        %dma_wait3A_429 = arith.constant 0 : i32
        %dma_wait3A_430 = tpu.memref_slice %arg9[%dma_wait3A_428, %dma_wait3A_429] : memref<80x32xf32, #tpu.memory_space<vmem>> -> memref<20x32xf32, #tpu.memory_space<vmem>>
        tpu.wait_dma2 semaphore(%arg13 : memref<!tpu.dma_semaphore, #tpu.memory_space<semaphore_mem>>) src(%dma_wait3A_430 : memref<20x32xf32, #tpu.memory_space<vmem>>) dst(%dma_wait3A_427 : memref<20x32xf32, #tpu.memory_space<hbm>>)
        %mul3A_431 = arith.constant 4 : i32
        %mul3A_432 = arith.muli %sub3A_373, %mul3A_431 : i32
        %add3A_433 = arith.addi %mul3A_4, %mul3A_432 : i32
        %add3A_434 = arith.constant 3 : i32
        %add3A_435 = arith.addi %add3A_433, %add3A_434 : i32
        %dma_wait3A_436 = arith.constant 60 : i32
        %dma_wait3A_437 = arith.constant 0 : i32
        %dma_wait3A_438 = tpu.memref_slice %arg9[%dma_wait3A_436, %dma_wait3A_437] : memref<80x32xf32, #tpu.memory_space<vmem>> -> memref<20x32xf32, #tpu.memory_space<vmem>>
        %dma_wait3A_439 = arith.constant 0 : i32
        %dma_wait3A_440 = arith.constant 0 : i32
        %dma_wait3A_441 = tpu.memref_slice %arg4[%add3A_435, %dma_wait3A_439, %dma_wait3A_440] : memref<16384x20x32xf32, #tpu.memory_space<hbm>> -> memref<1x20x32xf32, #tpu.memory_space<hbm>>
        %dma_wait3A_442 = tpu.memref_squeeze %dma_wait3A_441 : memref<1x20x32xf32, #tpu.memory_space<hbm>> -> memref<20x32xf32, #tpu.memory_space<hbm>>
        %dma_wait3A_443 = arith.constant 0 : i32
        %dma_wait3A_444 = arith.constant 0 : i32
        %dma_wait3A_445 = tpu.memref_slice %arg4[%add3A_435, %dma_wait3A_443, %dma_wait3A_444] : memref<16384x20x32xf32, #tpu.memory_space<hbm>> -> memref<1x20x32xf32, #tpu.memory_space<hbm>>
        %dma_wait3A_446 = tpu.memref_squeeze %dma_wait3A_445 : memref<1x20x32xf32, #tpu.memory_space<hbm>> -> memref<20x32xf32, #tpu.memory_space<hbm>>
        %dma_wait3A_447 = arith.constant 60 : i32
        %dma_wait3A_448 = arith.constant 0 : i32
        %dma_wait3A_449 = tpu.memref_slice %arg9[%dma_wait3A_447, %dma_wait3A_448] : memref<80x32xf32, #tpu.memory_space<vmem>> -> memref<20x32xf32, #tpu.memory_space<vmem>>
        tpu.wait_dma2 semaphore(%arg13 : memref<!tpu.dma_semaphore, #tpu.memory_space<semaphore_mem>>) src(%dma_wait3A_449 : memref<20x32xf32, #tpu.memory_space<vmem>>) dst(%dma_wait3A_446 : memref<20x32xf32, #tpu.memory_space<hbm>>)
      } else {
      }
      %scan3A_183 = arith.constant 0 : i32
      %scan3A_184 = arith.constant 5 : i32
      %scan3A_185 = arith.addi %scan3A_183, %scan3A_184 : i32
      %scan3A_186 = arith.constant 1 : i32
      scf.for %scan3A_373 = %scan3A_183 to %scan3A_185 step %scan3A_186  : i32 {
        %mul3A_374 = arith.constant 16 : i32
        %mul3A_375 = arith.muli %scan3A_373, %mul3A_374 : i32
        %add3A_376 = arith.constant 0 : i32
        %add3A_377 = arith.addi %add3A_376, %mul3A_375 : i32
        %mul3A_378 = arith.constant 80 : i32
        %mul3A_379 = arith.muli %add3A_174, %mul3A_378 : i32
        %add3A_380 = arith.addi %mul3A_379, %add3A_377 : i32
        %get3A = arith.index_cast %add3A_380 : i32 to index
        %get3A_381 = tpu.vector_load %arg5[%get3A] {strides = array<i32>} : memref<10240xi32, #tpu.memory_space<vmem>>, vector<16xi32>,
        %and3A = arith.constant 3 : i32
        %and3A_382 = vector.broadcast %and3A : i32 to vector<16xi32>
        %and3A_383 = arith.andi %get3A_381, %and3A_382 : vector<16xi32>
        %mul3A_384 = arith.constant 32 : i32
        %mul3A_385 = vector.broadcast %mul3A_384 : i32 to vector<16xi32>
        %mul3A_386 = arith.muli %and3A_383, %mul3A_385 : vector<16xi32>
        %slice3A = vector.extract_strided_slice %mul3A_386 {offsets = [0], sizes = [1], strides = [1]} : vector<16xi32> to vector<1xi32>
        %squeeze3A = vector.extract %slice3A[0] : i32 from vector<1xi32>
        %add3A_387 = arith.constant 0 : i32
        %add3A_388 = arith.addi %add3A_377, %add3A_387 : i32
        %get3A_389 = arith.index_cast %add3A_388 : i32 to index
        %get3A_390 = arith.index_cast %squeeze3A : i32 to index
        %get3A_391 = tpu.vector_load %arg7[%get3A_389, %get3A_390] {strides = array<i32>} : memref<80x128xf32, #tpu.memory_space<vmem>>, vector<16xf32>,
        %swap3A = arith.index_cast %add3A_388 : i32 to index
        %swap3A_392 = arith.constant 0 : index
        %swap3A_393 = tpu.vector_load %arg9[%swap3A, %swap3A_392] {strides = array<i32>} : memref<80x32xf32, #tpu.memory_space<vmem>>, vector<16xf32>,
        tpu.vector_store %arg9[%swap3A, %swap3A_392], %get3A_391 {strides = array<i32>} : memref<80x32xf32, #tpu.memory_space<vmem>>, vector<16xf32>,
        %add3A_394 = arith.constant 16 : i32
        %add3A_395 = arith.addi %squeeze3A, %add3A_394 : i32
        %get3A_396 = arith.index_cast %add3A_388 : i32 to index
        %get3A_397 = arith.index_cast %add3A_395 : i32 to index
        %get3A_398 = tpu.vector_load %arg7[%get3A_396, %get3A_397] {strides = array<i32>} : memref<80x128xf32, #tpu.memory_space<vmem>>, vector<16xf32>,
        %swap3A_399 = arith.index_cast %add3A_388 : i32 to index
        %swap3A_400 = arith.constant 16 : index
        %swap3A_401 = tpu.vector_load %arg9[%swap3A_399, %swap3A_400] {strides = array<i32>} : memref<80x32xf32, #tpu.memory_space<vmem>>, vector<16xf32>,
        tpu.vector_store %arg9[%swap3A_399, %swap3A_400], %get3A_398 {strides = array<i32>} : memref<80x32xf32, #tpu.memory_space<vmem>>, vector<16xf32>,
        %slice3A_402 = vector.extract_strided_slice %mul3A_386 {offsets = [1], sizes = [1], strides = [1]} : vector<16xi32> to vector<1xi32>
        %squeeze3A_403 = vector.extract %slice3A_402[0] : i32 from vector<1xi32>
        %add3A_404 = arith.constant 1 : i32
        %add3A_405 = arith.addi %add3A_377, %add3A_404 : i32
        %get3A_406 = arith.index_cast %add3A_405 : i32 to index
        %get3A_407 = arith.index_cast %squeeze3A_403 : i32 to index
        %get3A_408 = tpu.vector_load %arg7[%get3A_406, %get3A_407] {strides = array<i32>} : memref<80x128xf32, #tpu.memory_space<vmem>>, vector<16xf32>,
        %swap3A_409 = arith.index_cast %add3A_405 : i32 to index
        %swap3A_410 = arith.constant 0 : index
        %swap3A_411 = tpu.vector_load %arg9[%swap3A_409, %swap3A_410] {strides = array<i32>} : memref<80x32xf32, #tpu.memory_space<vmem>>, vector<16xf32>,
        tpu.vector_store %arg9[%swap3A_409, %swap3A_410], %get3A_408 {strides = array<i32>} : memref<80x32xf32, #tpu.memory_space<vmem>>, vector<16xf32>,
        %add3A_412 = arith.constant 16 : i32
        %add3A_413 = arith.addi %squeeze3A_403, %add3A_412 : i32
        %get3A_414 = arith.index_cast %add3A_405 : i32 to index
        %get3A_415 = arith.index_cast %add3A_413 : i32 to index
        %get3A_416 = tpu.vector_load %arg7[%get3A_414, %get3A_415] {strides = array<i32>} : memref<80x128xf32, #tpu.memory_space<vmem>>, vector<16xf32>,
        %swap3A_417 = arith.index_cast %add3A_405 : i32 to index
        %swap3A_418 = arith.constant 16 : index
        %swap3A_419 = tpu.vector_load %arg9[%swap3A_417, %swap3A_418] {strides = array<i32>} : memref<80x32xf32, #tpu.memory_space<vmem>>, vector<16xf32>,
        tpu.vector_store %arg9[%swap3A_417, %swap3A_418], %get3A_416 {strides = array<i32>} : memref<80x32xf32, #tpu.memory_space<vmem>>, vector<16xf32>,
        %slice3A_420 = vector.extract_strided_slice %mul3A_386 {offsets = [2], sizes = [1], strides = [1]} : vector<16xi32> to vector<1xi32>
        %squeeze3A_421 = vector.extract %slice3A_420[0] : i32 from vector<1xi32>
        %add3A_422 = arith.constant 2 : i32
        %add3A_423 = arith.addi %add3A_377, %add3A_422 : i32
        %get3A_424 = arith.index_cast %add3A_423 : i32 to index
        %get3A_425 = arith.index_cast %squeeze3A_421 : i32 to index
        %get3A_426 = tpu.vector_load %arg7[%get3A_424, %get3A_425] {strides = array<i32>} : memref<80x128xf32, #tpu.memory_space<vmem>>, vector<16xf32>,
        %swap3A_427 = arith.index_cast %add3A_423 : i32 to index
        %swap3A_428 = arith.constant 0 : index
        %swap3A_429 = tpu.vector_load %arg9[%swap3A_427, %swap3A_428] {strides = array<i32>} : memref<80x32xf32, #tpu.memory_space<vmem>>, vector<16xf32>,
        tpu.vector_store %arg9[%swap3A_427, %swap3A_428], %get3A_426 {strides = array<i32>} : memref<80x32xf32, #tpu.memory_space<vmem>>, vector<16xf32>,
        %add3A_430 = arith.constant 16 : i32
        %add3A_431 = arith.addi %squeeze3A_421, %add3A_430 : i32
        %get3A_432 = arith.index_cast %add3A_423 : i32 to index
        %get3A_433 = arith.index_cast %add3A_431 : i32 to index
        %get3A_434 = tpu.vector_load %arg7[%get3A_432, %get3A_433] {strides = array<i32>} : memref<80x128xf32, #tpu.memory_space<vmem>>, vector<16xf32>,
        %swap3A_435 = arith.index_cast %add3A_423 : i32 to index
        %swap3A_436 = arith.constant 16 : index
        %swap3A_437 = tpu.vector_load %arg9[%swap3A_435, %swap3A_436] {strides = array<i32>} : memref<80x32xf32, #tpu.memory_space<vmem>>, vector<16xf32>,
        tpu.vector_store %arg9[%swap3A_435, %swap3A_436], %get3A_434 {strides = array<i32>} : memref<80x32xf32, #tpu.memory_space<vmem>>, vector<16xf32>,
        %slice3A_438 = vector.extract_strided_slice %mul3A_386 {offsets = [3], sizes = [1], strides = [1]} : vector<16xi32> to vector<1xi32>
        %squeeze3A_439 = vector.extract %slice3A_438[0] : i32 from vector<1xi32>
        %add3A_440 = arith.constant 3 : i32
        %add3A_441 = arith.addi %add3A_377, %add3A_440 : i32
        %get3A_442 = arith.index_cast %add3A_441 : i32 to index
        %get3A_443 = arith.index_cast %squeeze3A_439 : i32 to index
        %get3A_444 = tpu.vector_load %arg7[%get3A_442, %get3A_443] {strides = array<i32>} : memref<80x128xf32, #tpu.memory_space<vmem>>, vector<16xf32>,
        %swap3A_445 = arith.index_cast %add3A_441 : i32 to index
        %swap3A_446 = arith.constant 0 : index
        %swap3A_447 = tpu.vector_load %arg9[%swap3A_445, %swap3A_446] {strides = array<i32>} : memref<80x32xf32, #tpu.memory_space<vmem>>, vector<16xf32>,
        tpu.vector_store %arg9[%swap3A_445, %swap3A_446], %get3A_444 {strides = array<i32>} : memref<80x32xf32, #tpu.memory_space<vmem>>, vector<16xf32>,
        %add3A_448 = arith.constant 16 : i32
        %add3A_449 = arith.addi %squeeze3A_439, %add3A_448 : i32
        %get3A_450 = arith.index_cast %add3A_441 : i32 to index
        %get3A_451 = arith.index_cast %add3A_449 : i32 to index
        %get3A_452 = tpu.vector_load %arg7[%get3A_450, %get3A_451] {strides = array<i32>} : memref<80x128xf32, #tpu.memory_space<vmem>>, vector<16xf32>,
        %swap3A_453 = arith.index_cast %add3A_441 : i32 to index
        %swap3A_454 = arith.constant 16 : index
        %swap3A_455 = tpu.vector_load %arg9[%swap3A_453, %swap3A_454] {strides = array<i32>} : memref<80x32xf32, #tpu.memory_space<vmem>>, vector<16xf32>,
        tpu.vector_store %arg9[%swap3A_453, %swap3A_454], %get3A_452 {strides = array<i32>} : memref<80x32xf32, #tpu.memory_space<vmem>>, vector<16xf32>,
        %slice3A_456 = vector.extract_strided_slice %mul3A_386 {offsets = [4], sizes = [1], strides = [1]} : vector<16xi32> to vector<1xi32>
        %squeeze3A_457 = vector.extract %slice3A_456[0] : i32 from vector<1xi32>
        %add3A_458 = arith.constant 4 : i32
        %add3A_459 = arith.addi %add3A_377, %add3A_458 : i32
        %get3A_460 = arith.index_cast %add3A_459 : i32 to index
        %get3A_461 = arith.index_cast %squeeze3A_457 : i32 to index
        %get3A_462 = tpu.vector_load %arg7[%get3A_460, %get3A_461] {strides = array<i32>} : memref<80x128xf32, #tpu.memory_space<vmem>>, vector<16xf32>,
        %swap3A_463 = arith.index_cast %add3A_459 : i32 to index
        %swap3A_464 = arith.constant 0 : index
        %swap3A_465 = tpu.vector_load %arg9[%swap3A_463, %swap3A_464] {strides = array<i32>} : memref<80x32xf32, #tpu.memory_space<vmem>>, vector<16xf32>,
        tpu.vector_store %arg9[%swap3A_463, %swap3A_464], %get3A_462 {strides = array<i32>} : memref<80x32xf32, #tpu.memory_space<vmem>>, vector<16xf32>,
        %add3A_466 = arith.constant 16 : i32
        %add3A_467 = arith.addi %squeeze3A_457, %add3A_466 : i32
        %get3A_468 = arith.index_cast %add3A_459 : i32 to index
        %get3A_469 = arith.index_cast %add3A_467 : i32 to index
        %get3A_470 = tpu.vector_load %arg7[%get3A_468, %get3A_469] {strides = array<i32>} : memref<80x128xf32, #tpu.memory_space<vmem>>, vector<16xf32>,
        %swap3A_471 = arith.index_cast %add3A_459 : i32 to index
        %swap3A_472 = arith.constant 16 : index
        %swap3A_473 = tpu.vector_load %arg9[%swap3A_471, %swap3A_472] {strides = array<i32>} : memref<80x32xf32, #tpu.memory_space<vmem>>, vector<16xf32>,
        tpu.vector_store %arg9[%swap3A_471, %swap3A_472], %get3A_470 {strides = array<i32>} : memref<80x32xf32, #tpu.memory_space<vmem>>, vector<16xf32>,
        %slice3A_474 = vector.extract_strided_slice %mul3A_386 {offsets = [5], sizes = [1], strides = [1]} : vector<16xi32> to vector<1xi32>
        %squeeze3A_475 = vector.extract %slice3A_474[0] : i32 from vector<1xi32>
        %add3A_476 = arith.constant 5 : i32
        %add3A_477 = arith.addi %add3A_377, %add3A_476 : i32
        %get3A_478 = arith.index_cast %add3A_477 : i32 to index
        %get3A_479 = arith.index_cast %squeeze3A_475 : i32 to index
        %get3A_480 = tpu.vector_load %arg7[%get3A_478, %get3A_479] {strides = array<i32>} : memref<80x128xf32, #tpu.memory_space<vmem>>, vector<16xf32>,
        %swap3A_481 = arith.index_cast %add3A_477 : i32 to index
        %swap3A_482 = arith.constant 0 : index
        %swap3A_483 = tpu.vector_load %arg9[%swap3A_481, %swap3A_482] {strides = array<i32>} : memref<80x32xf32, #tpu.memory_space<vmem>>, vector<16xf32>,
        tpu.vector_store %arg9[%swap3A_481, %swap3A_482], %get3A_480 {strides = array<i32>} : memref<80x32xf32, #tpu.memory_space<vmem>>, vector<16xf32>,
        %add3A_484 = arith.constant 16 : i32
        %add3A_485 = arith.addi %squeeze3A_475, %add3A_484 : i32
        %get3A_486 = arith.index_cast %add3A_477 : i32 to index
        %get3A_487 = arith.index_cast %add3A_485 : i32 to index
        %get3A_488 = tpu.vector_load %arg7[%get3A_486, %get3A_487] {strides = array<i32>} : memref<80x128xf32, #tpu.memory_space<vmem>>, vector<16xf32>,
        %swap3A_489 = arith.index_cast %add3A_477 : i32 to index
        %swap3A_490 = arith.constant 16 : index
        %swap3A_491 = tpu.vector_load %arg9[%swap3A_489, %swap3A_490] {strides = array<i32>} : memref<80x32xf32, #tpu.memory_space<vmem>>, vector<16xf32>,
        tpu.vector_store %arg9[%swap3A_489, %swap3A_490], %get3A_488 {strides = array<i32>} : memref<80x32xf32, #tpu.memory_space<vmem>>, vector<16xf32>,
        %slice3A_492 = vector.extract_strided_slice %mul3A_386 {offsets = [6], sizes = [1], strides = [1]} : vector<16xi32> to vector<1xi32>
        %squeeze3A_493 = vector.extract %slice3A_492[0] : i32 from vector<1xi32>
        %add3A_494 = arith.constant 6 : i32
        %add3A_495 = arith.addi %add3A_377, %add3A_494 : i32
        %get3A_496 = arith.index_cast %add3A_495 : i32 to index
        %get3A_497 = arith.index_cast %squeeze3A_493 : i32 to index
        %get3A_498 = tpu.vector_load %arg7[%get3A_496, %get3A_497] {strides = array<i32>} : memref<80x128xf32, #tpu.memory_space<vmem>>, vector<16xf32>,
        %swap3A_499 = arith.index_cast %add3A_495 : i32 to index
        %swap3A_500 = arith.constant 0 : index
        %swap3A_501 = tpu.vector_load %arg9[%swap3A_499, %swap3A_500] {strides = array<i32>} : memref<80x32xf32, #tpu.memory_space<vmem>>, vector<16xf32>,
        tpu.vector_store %arg9[%swap3A_499, %swap3A_500], %get3A_498 {strides = array<i32>} : memref<80x32xf32, #tpu.memory_space<vmem>>, vector<16xf32>,
        %add3A_502 = arith.constant 16 : i32
        %add3A_503 = arith.addi %squeeze3A_493, %add3A_502 : i32
        %get3A_504 = arith.index_cast %add3A_495 : i32 to index
        %get3A_505 = arith.index_cast %add3A_503 : i32 to index
        %get3A_506 = tpu.vector_load %arg7[%get3A_504, %get3A_505] {strides = array<i32>} : memref<80x128xf32, #tpu.memory_space<vmem>>, vector<16xf32>,
        %swap3A_507 = arith.index_cast %add3A_495 : i32 to index
        %swap3A_508 = arith.constant 16 : index
        %swap3A_509 = tpu.vector_load %arg9[%swap3A_507, %swap3A_508] {strides = array<i32>} : memref<80x32xf32, #tpu.memory_space<vmem>>, vector<16xf32>,
        tpu.vector_store %arg9[%swap3A_507, %swap3A_508], %get3A_506 {strides = array<i32>} : memref<80x32xf32, #tpu.memory_space<vmem>>, vector<16xf32>,
        %slice3A_510 = vector.extract_strided_slice %mul3A_386 {offsets = [7], sizes = [1], strides = [1]} : vector<16xi32> to vector<1xi32>
        %squeeze3A_511 = vector.extract %slice3A_510[0] : i32 from vector<1xi32>
        %add3A_512 = arith.constant 7 : i32
        %add3A_513 = arith.addi %add3A_377, %add3A_512 : i32
        %get3A_514 = arith.index_cast %add3A_513 : i32 to index
        %get3A_515 = arith.index_cast %squeeze3A_511 : i32 to index
        %get3A_516 = tpu.vector_load %arg7[%get3A_514, %get3A_515] {strides = array<i32>} : memref<80x128xf32, #tpu.memory_space<vmem>>, vector<16xf32>,
        %swap3A_517 = arith.index_cast %add3A_513 : i32 to index
        %swap3A_518 = arith.constant 0 : index
        %swap3A_519 = tpu.vector_load %arg9[%swap3A_517, %swap3A_518] {strides = array<i32>} : memref<80x32xf32, #tpu.memory_space<vmem>>, vector<16xf32>,
        tpu.vector_store %arg9[%swap3A_517, %swap3A_518], %get3A_516 {strides = array<i32>} : memref<80x32xf32, #tpu.memory_space<vmem>>, vector<16xf32>,
        %add3A_520 = arith.constant 16 : i32
        %add3A_521 = arith.addi %squeeze3A_511, %add3A_520 : i32
        %get3A_522 = arith.index_cast %add3A_513 : i32 to index
        %get3A_523 = arith.index_cast %add3A_521 : i32 to index
        %get3A_524 = tpu.vector_load %arg7[%get3A_522, %get3A_523] {strides = array<i32>} : memref<80x128xf32, #tpu.memory_space<vmem>>, vector<16xf32>,
        %swap3A_525 = arith.index_cast %add3A_513 : i32 to index
        %swap3A_526 = arith.constant 16 : index
        %swap3A_527 = tpu.vector_load %arg9[%swap3A_525, %swap3A_526] {strides = array<i32>} : memref<80x32xf32, #tpu.memory_space<vmem>>, vector<16xf32>,
        tpu.vector_store %arg9[%swap3A_525, %swap3A_526], %get3A_524 {strides = array<i32>} : memref<80x32xf32, #tpu.memory_space<vmem>>, vector<16xf32>,
        %slice3A_528 = vector.extract_strided_slice %mul3A_386 {offsets = [8], sizes = [1], strides = [1]} : vector<16xi32> to vector<1xi32>
        %squeeze3A_529 = vector.extract %slice3A_528[0] : i32 from vector<1xi32>
        %add3A_530 = arith.constant 8 : i32
        %add3A_531 = arith.addi %add3A_377, %add3A_530 : i32
        %get3A_532 = arith.index_cast %add3A_531 : i32 to index
        %get3A_533 = arith.index_cast %squeeze3A_529 : i32 to index
        %get3A_534 = tpu.vector_load %arg7[%get3A_532, %get3A_533] {strides = array<i32>} : memref<80x128xf32, #tpu.memory_space<vmem>>, vector<16xf32>,
        %swap3A_535 = arith.index_cast %add3A_531 : i32 to index
        %swap3A_536 = arith.constant 0 : index
        %swap3A_537 = tpu.vector_load %arg9[%swap3A_535, %swap3A_536] {strides = array<i32>} : memref<80x32xf32, #tpu.memory_space<vmem>>, vector<16xf32>,
        tpu.vector_store %arg9[%swap3A_535, %swap3A_536], %get3A_534 {strides = array<i32>} : memref<80x32xf32, #tpu.memory_space<vmem>>, vector<16xf32>,
        %add3A_538 = arith.constant 16 : i32
        %add3A_539 = arith.addi %squeeze3A_529, %add3A_538 : i32
        %get3A_540 = arith.index_cast %add3A_531 : i32 to index
        %get3A_541 = arith.index_cast %add3A_539 : i32 to index
        %get3A_542 = tpu.vector_load %arg7[%get3A_540, %get3A_541] {strides = array<i32>} : memref<80x128xf32, #tpu.memory_space<vmem>>, vector<16xf32>,
        %swap3A_543 = arith.index_cast %add3A_531 : i32 to index
        %swap3A_544 = arith.constant 16 : index
        %swap3A_545 = tpu.vector_load %arg9[%swap3A_543, %swap3A_544] {strides = array<i32>} : memref<80x32xf32, #tpu.memory_space<vmem>>, vector<16xf32>,
        tpu.vector_store %arg9[%swap3A_543, %swap3A_544], %get3A_542 {strides = array<i32>} : memref<80x32xf32, #tpu.memory_space<vmem>>, vector<16xf32>,
        %slice3A_546 = vector.extract_strided_slice %mul3A_386 {offsets = [9], sizes = [1], strides = [1]} : vector<16xi32> to vector<1xi32>
        %squeeze3A_547 = vector.extract %slice3A_546[0] : i32 from vector<1xi32>
        %add3A_548 = arith.constant 9 : i32
        %add3A_549 = arith.addi %add3A_377, %add3A_548 : i32
        %get3A_550 = arith.index_cast %add3A_549 : i32 to index
        %get3A_551 = arith.index_cast %squeeze3A_547 : i32 to index
        %get3A_552 = tpu.vector_load %arg7[%get3A_550, %get3A_551] {strides = array<i32>} : memref<80x128xf32, #tpu.memory_space<vmem>>, vector<16xf32>,
        %swap3A_553 = arith.index_cast %add3A_549 : i32 to index
        %swap3A_554 = arith.constant 0 : index
        %swap3A_555 = tpu.vector_load %arg9[%swap3A_553, %swap3A_554] {strides = array<i32>} : memref<80x32xf32, #tpu.memory_space<vmem>>, vector<16xf32>,
        tpu.vector_store %arg9[%swap3A_553, %swap3A_554], %get3A_552 {strides = array<i32>} : memref<80x32xf32, #tpu.memory_space<vmem>>, vector<16xf32>,
        %add3A_556 = arith.constant 16 : i32
        %add3A_557 = arith.addi %squeeze3A_547, %add3A_556 : i32
        %get3A_558 = arith.index_cast %add3A_549 : i32 to index
        %get3A_559 = arith.index_cast %add3A_557 : i32 to index
        %get3A_560 = tpu.vector_load %arg7[%get3A_558, %get3A_559] {strides = array<i32>} : memref<80x128xf32, #tpu.memory_space<vmem>>, vector<16xf32>,
        %swap3A_561 = arith.index_cast %add3A_549 : i32 to index
        %swap3A_562 = arith.constant 16 : index
        %swap3A_563 = tpu.vector_load %arg9[%swap3A_561, %swap3A_562] {strides = array<i32>} : memref<80x32xf32, #tpu.memory_space<vmem>>, vector<16xf32>,
        tpu.vector_store %arg9[%swap3A_561, %swap3A_562], %get3A_560 {strides = array<i32>} : memref<80x32xf32, #tpu.memory_space<vmem>>, vector<16xf32>,
        %slice3A_564 = vector.extract_strided_slice %mul3A_386 {offsets = [10], sizes = [1], strides = [1]} : vector<16xi32> to vector<1xi32>
        %squeeze3A_565 = vector.extract %slice3A_564[0] : i32 from vector<1xi32>
        %add3A_566 = arith.constant 10 : i32
        %add3A_567 = arith.addi %add3A_377, %add3A_566 : i32
        %get3A_568 = arith.index_cast %add3A_567 : i32 to index
        %get3A_569 = arith.index_cast %squeeze3A_565 : i32 to index
        %get3A_570 = tpu.vector_load %arg7[%get3A_568, %get3A_569] {strides = array<i32>} : memref<80x128xf32, #tpu.memory_space<vmem>>, vector<16xf32>,
        %swap3A_571 = arith.index_cast %add3A_567 : i32 to index
        %swap3A_572 = arith.constant 0 : index
        %swap3A_573 = tpu.vector_load %arg9[%swap3A_571, %swap3A_572] {strides = array<i32>} : memref<80x32xf32, #tpu.memory_space<vmem>>, vector<16xf32>,
        tpu.vector_store %arg9[%swap3A_571, %swap3A_572], %get3A_570 {strides = array<i32>} : memref<80x32xf32, #tpu.memory_space<vmem>>, vector<16xf32>,
        %add3A_574 = arith.constant 16 : i32
        %add3A_575 = arith.addi %squeeze3A_565, %add3A_574 : i32
        %get3A_576 = arith.index_cast %add3A_567 : i32 to index
        %get3A_577 = arith.index_cast %add3A_575 : i32 to index
        %get3A_578 = tpu.vector_load %arg7[%get3A_576, %get3A_577] {strides = array<i32>} : memref<80x128xf32, #tpu.memory_space<vmem>>, vector<16xf32>,
        %swap3A_579 = arith.index_cast %add3A_567 : i32 to index
        %swap3A_580 = arith.constant 16 : index
        %swap3A_581 = tpu.vector_load %arg9[%swap3A_579, %swap3A_580] {strides = array<i32>} : memref<80x32xf32, #tpu.memory_space<vmem>>, vector<16xf32>,
        tpu.vector_store %arg9[%swap3A_579, %swap3A_580], %get3A_578 {strides = array<i32>} : memref<80x32xf32, #tpu.memory_space<vmem>>, vector<16xf32>,
        %slice3A_582 = vector.extract_strided_slice %mul3A_386 {offsets = [11], sizes = [1], strides = [1]} : vector<16xi32> to vector<1xi32>
        %squeeze3A_583 = vector.extract %slice3A_582[0] : i32 from vector<1xi32>
        %add3A_584 = arith.constant 11 : i32
        %add3A_585 = arith.addi %add3A_377, %add3A_584 : i32
        %get3A_586 = arith.index_cast %add3A_585 : i32 to index
        %get3A_587 = arith.index_cast %squeeze3A_583 : i32 to index
        %get3A_588 = tpu.vector_load %arg7[%get3A_586, %get3A_587] {strides = array<i32>} : memref<80x128xf32, #tpu.memory_space<vmem>>, vector<16xf32>,
        %swap3A_589 = arith.index_cast %add3A_585 : i32 to index
        %swap3A_590 = arith.constant 0 : index
        %swap3A_591 = tpu.vector_load %arg9[%swap3A_589, %swap3A_590] {strides = array<i32>} : memref<80x32xf32, #tpu.memory_space<vmem>>, vector<16xf32>,
        tpu.vector_store %arg9[%swap3A_589, %swap3A_590], %get3A_588 {strides = array<i32>} : memref<80x32xf32, #tpu.memory_space<vmem>>, vector<16xf32>,
        %add3A_592 = arith.constant 16 : i32
        %add3A_593 = arith.addi %squeeze3A_583, %add3A_592 : i32
        %get3A_594 = arith.index_cast %add3A_585 : i32 to index
        %get3A_595 = arith.index_cast %add3A_593 : i32 to index
        %get3A_596 = tpu.vector_load %arg7[%get3A_594, %get3A_595] {strides = array<i32>} : memref<80x128xf32, #tpu.memory_space<vmem>>, vector<16xf32>,
        %swap3A_597 = arith.index_cast %add3A_585 : i32 to index
        %swap3A_598 = arith.constant 16 : index
        %swap3A_599 = tpu.vector_load %arg9[%swap3A_597, %swap3A_598] {strides = array<i32>} : memref<80x32xf32, #tpu.memory_space<vmem>>, vector<16xf32>,
        tpu.vector_store %arg9[%swap3A_597, %swap3A_598], %get3A_596 {strides = array<i32>} : memref<80x32xf32, #tpu.memory_space<vmem>>, vector<16xf32>,
        %slice3A_600 = vector.extract_strided_slice %mul3A_386 {offsets = [12], sizes = [1], strides = [1]} : vector<16xi32> to vector<1xi32>
        %squeeze3A_601 = vector.extract %slice3A_600[0] : i32 from vector<1xi32>
        %add3A_602 = arith.constant 12 : i32
        %add3A_603 = arith.addi %add3A_377, %add3A_602 : i32
        %get3A_604 = arith.index_cast %add3A_603 : i32 to index
        %get3A_605 = arith.index_cast %squeeze3A_601 : i32 to index
        %get3A_606 = tpu.vector_load %arg7[%get3A_604, %get3A_605] {strides = array<i32>} : memref<80x128xf32, #tpu.memory_space<vmem>>, vector<16xf32>,
        %swap3A_607 = arith.index_cast %add3A_603 : i32 to index
        %swap3A_608 = arith.constant 0 : index
        %swap3A_609 = tpu.vector_load %arg9[%swap3A_607, %swap3A_608] {strides = array<i32>} : memref<80x32xf32, #tpu.memory_space<vmem>>, vector<16xf32>,
        tpu.vector_store %arg9[%swap3A_607, %swap3A_608], %get3A_606 {strides = array<i32>} : memref<80x32xf32, #tpu.memory_space<vmem>>, vector<16xf32>,
        %add3A_610 = arith.constant 16 : i32
        %add3A_611 = arith.addi %squeeze3A_601, %add3A_610 : i32
        %get3A_612 = arith.index_cast %add3A_603 : i32 to index
        %get3A_613 = arith.index_cast %add3A_611 : i32 to index
        %get3A_614 = tpu.vector_load %arg7[%get3A_612, %get3A_613] {strides = array<i32>} : memref<80x128xf32, #tpu.memory_space<vmem>>, vector<16xf32>,
        %swap3A_615 = arith.index_cast %add3A_603 : i32 to index
        %swap3A_616 = arith.constant 16 : index
        %swap3A_617 = tpu.vector_load %arg9[%swap3A_615, %swap3A_616] {strides = array<i32>} : memref<80x32xf32, #tpu.memory_space<vmem>>, vector<16xf32>,
        tpu.vector_store %arg9[%swap3A_615, %swap3A_616], %get3A_614 {strides = array<i32>} : memref<80x32xf32, #tpu.memory_space<vmem>>, vector<16xf32>,
        %slice3A_618 = vector.extract_strided_slice %mul3A_386 {offsets = [13], sizes = [1], strides = [1]} : vector<16xi32> to vector<1xi32>
        %squeeze3A_619 = vector.extract %slice3A_618[0] : i32 from vector<1xi32>
        %add3A_620 = arith.constant 13 : i32
        %add3A_621 = arith.addi %add3A_377, %add3A_620 : i32
        %get3A_622 = arith.index_cast %add3A_621 : i32 to index
        %get3A_623 = arith.index_cast %squeeze3A_619 : i32 to index
        %get3A_624 = tpu.vector_load %arg7[%get3A_622, %get3A_623] {strides = array<i32>} : memref<80x128xf32, #tpu.memory_space<vmem>>, vector<16xf32>,
        %swap3A_625 = arith.index_cast %add3A_621 : i32 to index
        %swap3A_626 = arith.constant 0 : index
        %swap3A_627 = tpu.vector_load %arg9[%swap3A_625, %swap3A_626] {strides = array<i32>} : memref<80x32xf32, #tpu.memory_space<vmem>>, vector<16xf32>,
        tpu.vector_store %arg9[%swap3A_625, %swap3A_626], %get3A_624 {strides = array<i32>} : memref<80x32xf32, #tpu.memory_space<vmem>>, vector<16xf32>,
        %add3A_628 = arith.constant 16 : i32
        %add3A_629 = arith.addi %squeeze3A_619, %add3A_628 : i32
        %get3A_630 = arith.index_cast %add3A_621 : i32 to index
        %get3A_631 = arith.index_cast %add3A_629 : i32 to index
        %get3A_632 = tpu.vector_load %arg7[%get3A_630, %get3A_631] {strides = array<i32>} : memref<80x128xf32, #tpu.memory_space<vmem>>, vector<16xf32>,
        %swap3A_633 = arith.index_cast %add3A_621 : i32 to index
        %swap3A_634 = arith.constant 16 : index
        %swap3A_635 = tpu.vector_load %arg9[%swap3A_633, %swap3A_634] {strides = array<i32>} : memref<80x32xf32, #tpu.memory_space<vmem>>, vector<16xf32>,
        tpu.vector_store %arg9[%swap3A_633, %swap3A_634], %get3A_632 {strides = array<i32>} : memref<80x32xf32, #tpu.memory_space<vmem>>, vector<16xf32>,
        %slice3A_636 = vector.extract_strided_slice %mul3A_386 {offsets = [14], sizes = [1], strides = [1]} : vector<16xi32> to vector<1xi32>
        %squeeze3A_637 = vector.extract %slice3A_636[0] : i32 from vector<1xi32>
        %add3A_638 = arith.constant 14 : i32
        %add3A_639 = arith.addi %add3A_377, %add3A_638 : i32
        %get3A_640 = arith.index_cast %add3A_639 : i32 to index
        %get3A_641 = arith.index_cast %squeeze3A_637 : i32 to index
        %get3A_642 = tpu.vector_load %arg7[%get3A_640, %get3A_641] {strides = array<i32>} : memref<80x128xf32, #tpu.memory_space<vmem>>, vector<16xf32>,
        %swap3A_643 = arith.index_cast %add3A_639 : i32 to index
        %swap3A_644 = arith.constant 0 : index
        %swap3A_645 = tpu.vector_load %arg9[%swap3A_643, %swap3A_644] {strides = array<i32>} : memref<80x32xf32, #tpu.memory_space<vmem>>, vector<16xf32>,
        tpu.vector_store %arg9[%swap3A_643, %swap3A_644], %get3A_642 {strides = array<i32>} : memref<80x32xf32, #tpu.memory_space<vmem>>, vector<16xf32>,
        %add3A_646 = arith.constant 16 : i32
        %add3A_647 = arith.addi %squeeze3A_637, %add3A_646 : i32
        %get3A_648 = arith.index_cast %add3A_639 : i32 to index
        %get3A_649 = arith.index_cast %add3A_647 : i32 to index
        %get3A_650 = tpu.vector_load %arg7[%get3A_648, %get3A_649] {strides = array<i32>} : memref<80x128xf32, #tpu.memory_space<vmem>>, vector<16xf32>,
        %swap3A_651 = arith.index_cast %add3A_639 : i32 to index
        %swap3A_652 = arith.constant 16 : index
        %swap3A_653 = tpu.vector_load %arg9[%swap3A_651, %swap3A_652] {strides = array<i32>} : memref<80x32xf32, #tpu.memory_space<vmem>>, vector<16xf32>,
        tpu.vector_store %arg9[%swap3A_651, %swap3A_652], %get3A_650 {strides = array<i32>} : memref<80x32xf32, #tpu.memory_space<vmem>>, vector<16xf32>,
        %slice3A_654 = vector.extract_strided_slice %mul3A_386 {offsets = [15], sizes = [1], strides = [1]} : vector<16xi32> to vector<1xi32>
        %squeeze3A_655 = vector.extract %slice3A_654[0] : i32 from vector<1xi32>
        %add3A_656 = arith.constant 15 : i32
        %add3A_657 = arith.addi %add3A_377, %add3A_656 : i32
        %get3A_658 = arith.index_cast %add3A_657 : i32 to index
        %get3A_659 = arith.index_cast %squeeze3A_655 : i32 to index
        %get3A_660 = tpu.vector_load %arg7[%get3A_658, %get3A_659] {strides = array<i32>} : memref<80x128xf32, #tpu.memory_space<vmem>>, vector<16xf32>,
        %swap3A_661 = arith.index_cast %add3A_657 : i32 to index
        %swap3A_662 = arith.constant 0 : index
        %swap3A_663 = tpu.vector_load %arg9[%swap3A_661, %swap3A_662] {strides = array<i32>} : memref<80x32xf32, #tpu.memory_space<vmem>>, vector<16xf32>,
        tpu.vector_store %arg9[%swap3A_661, %swap3A_662], %get3A_660 {strides = array<i32>} : memref<80x32xf32, #tpu.memory_space<vmem>>, vector<16xf32>,
        %add3A_664 = arith.constant 16 : i32
        %add3A_665 = arith.addi %squeeze3A_655, %add3A_664 : i32
        %get3A_666 = arith.index_cast %add3A_657 : i32 to index
        %get3A_667 = arith.index_cast %add3A_665 : i32 to index
        %get3A_668 = tpu.vector_load %arg7[%get3A_666, %get3A_667] {strides = array<i32>} : memref<80x128xf32, #tpu.memory_space<vmem>>, vector<16xf32>,
        %swap3A_669 = arith.index_cast %add3A_657 : i32 to index
        %swap3A_670 = arith.constant 16 : index
        %swap3A_671 = tpu.vector_load %arg9[%swap3A_669, %swap3A_670] {strides = array<i32>} : memref<80x32xf32, #tpu.memory_space<vmem>>, vector<16xf32>,
        tpu.vector_store %arg9[%swap3A_669, %swap3A_670], %get3A_668 {strides = array<i32>} : memref<80x32xf32, #tpu.memory_space<vmem>>, vector<16xf32>,
      }
      %scan3A_187 = arith.constant 5 : i32
      %mul3A_188 = arith.constant 4 : i32
      %mul3A_189 = arith.muli %add3A_174, %mul3A_188 : i32
      %add3A_190 = arith.addi %mul3A_4, %mul3A_189 : i32
      %add3A_191 = arith.constant 0 : i32
      %add3A_192 = arith.addi %add3A_190, %add3A_191 : i32
      %dma_start3A_193 = arith.constant 0 : i32
      %dma_start3A_194 = arith.constant 0 : i32
      %dma_start3A_195 = tpu.memref_slice %arg9[%dma_start3A_193, %dma_start3A_194] : memref<80x32xf32, #tpu.memory_space<vmem>> -> memref<20x32xf32, #tpu.memory_space<vmem>>
      %dma_start3A_196 = arith.constant 0 : i32
      %dma_start3A_197 = arith.constant 0 : i32
      %dma_start3A_198 = tpu.memref_slice %arg4[%add3A_192, %dma_start3A_196, %dma_start3A_197] : memref<16384x20x32xf32, #tpu.memory_space<hbm>> -> memref<1x20x32xf32, #tpu.memory_space<hbm>>
      %dma_start3A_199 = tpu.memref_squeeze %dma_start3A_198 : memref<1x20x32xf32, #tpu.memory_space<hbm>> -> memref<20x32xf32, #tpu.memory_space<hbm>>
      %dma_start3A_200 = arith.constant 0 : i32
      %dma_start3A_201 = arith.constant 0 : i32
      %dma_start3A_202 = tpu.memref_slice %arg4[%add3A_192, %dma_start3A_200, %dma_start3A_201] : memref<16384x20x32xf32, #tpu.memory_space<hbm>> -> memref<1x20x32xf32, #tpu.memory_space<hbm>>
      %dma_start3A_203 = tpu.memref_squeeze %dma_start3A_202 : memref<1x20x32xf32, #tpu.memory_space<hbm>> -> memref<20x32xf32, #tpu.memory_space<hbm>>
      %dma_start3A_204 = arith.constant 0 : i32
      %dma_start3A_205 = arith.constant 0 : i32
      %dma_start3A_206 = tpu.memref_slice %arg9[%dma_start3A_204, %dma_start3A_205] : memref<80x32xf32, #tpu.memory_space<vmem>> -> memref<20x32xf32, #tpu.memory_space<vmem>>
      tpu.enqueue_dma source(%dma_start3A_206 : memref<20x32xf32, #tpu.memory_space<vmem>>) target(%dma_start3A_203 : memref<20x32xf32, #tpu.memory_space<hbm>>) target_semaphore(%arg13 : memref<!tpu.dma_semaphore, #tpu.memory_space<semaphore_mem>>)
      %mul3A_207 = arith.constant 4 : i32
      %mul3A_208 = arith.muli %add3A_174, %mul3A_207 : i32
      %add3A_209 = arith.addi %mul3A_4, %mul3A_208 : i32
      %add3A_210 = arith.constant 1 : i32
      %add3A_211 = arith.addi %add3A_209, %add3A_210 : i32
      %dma_start3A_212 = arith.constant 20 : i32
      %dma_start3A_213 = arith.constant 0 : i32
      %dma_start3A_214 = tpu.memref_slice %arg9[%dma_start3A_212, %dma_start3A_213] : memref<80x32xf32, #tpu.memory_space<vmem>> -> memref<20x32xf32, #tpu.memory_space<vmem>>
      %dma_start3A_215 = arith.constant 0 : i32
      %dma_start3A_216 = arith.constant 0 : i32
      %dma_start3A_217 = tpu.memref_slice %arg4[%add3A_211, %dma_start3A_215, %dma_start3A_216] : memref<16384x20x32xf32, #tpu.memory_space<hbm>> -> memref<1x20x32xf32, #tpu.memory_space<hbm>>
      %dma_start3A_218 = tpu.memref_squeeze %dma_start3A_217 : memref<1x20x32xf32, #tpu.memory_space<hbm>> -> memref<20x32xf32, #tpu.memory_space<hbm>>
      %dma_start3A_219 = arith.constant 0 : i32
      %dma_start3A_220 = arith.constant 0 : i32
      %dma_start3A_221 = tpu.memref_slice %arg4[%add3A_211, %dma_start3A_219, %dma_start3A_220] : memref<16384x20x32xf32, #tpu.memory_space<hbm>> -> memref<1x20x32xf32, #tpu.memory_space<hbm>>
      %dma_start3A_222 = tpu.memref_squeeze %dma_start3A_221 : memref<1x20x32xf32, #tpu.memory_space<hbm>> -> memref<20x32xf32, #tpu.memory_space<hbm>>
      %dma_start3A_223 = arith.constant 20 : i32
      %dma_start3A_224 = arith.constant 0 : i32
      %dma_start3A_225 = tpu.memref_slice %arg9[%dma_start3A_223, %dma_start3A_224] : memref<80x32xf32, #tpu.memory_space<vmem>> -> memref<20x32xf32, #tpu.memory_space<vmem>>
      tpu.enqueue_dma source(%dma_start3A_225 : memref<20x32xf32, #tpu.memory_space<vmem>>) target(%dma_start3A_222 : memref<20x32xf32, #tpu.memory_space<hbm>>) target_semaphore(%arg13 : memref<!tpu.dma_semaphore, #tpu.memory_space<semaphore_mem>>)
      %mul3A_226 = arith.constant 4 : i32
      %mul3A_227 = arith.muli %add3A_174, %mul3A_226 : i32
      %add3A_228 = arith.addi %mul3A_4, %mul3A_227 : i32
      %add3A_229 = arith.constant 2 : i32
      %add3A_230 = arith.addi %add3A_228, %add3A_229 : i32
      %dma_start3A_231 = arith.constant 40 : i32
      %dma_start3A_232 = arith.constant 0 : i32
      %dma_start3A_233 = tpu.memref_slice %arg9[%dma_start3A_231, %dma_start3A_232] : memref<80x32xf32, #tpu.memory_space<vmem>> -> memref<20x32xf32, #tpu.memory_space<vmem>>
      %dma_start3A_234 = arith.constant 0 : i32
      %dma_start3A_235 = arith.constant 0 : i32
      %dma_start3A_236 = tpu.memref_slice %arg4[%add3A_230, %dma_start3A_234, %dma_start3A_235] : memref<16384x20x32xf32, #tpu.memory_space<hbm>> -> memref<1x20x32xf32, #tpu.memory_space<hbm>>
      %dma_start3A_237 = tpu.memref_squeeze %dma_start3A_236 : memref<1x20x32xf32, #tpu.memory_space<hbm>> -> memref<20x32xf32, #tpu.memory_space<hbm>>
      %dma_start3A_238 = arith.constant 0 : i32
      %dma_start3A_239 = arith.constant 0 : i32
      %dma_start3A_240 = tpu.memref_slice %arg4[%add3A_230, %dma_start3A_238, %dma_start3A_239] : memref<16384x20x32xf32, #tpu.memory_space<hbm>> -> memref<1x20x32xf32, #tpu.memory_space<hbm>>
      %dma_start3A_241 = tpu.memref_squeeze %dma_start3A_240 : memref<1x20x32xf32, #tpu.memory_space<hbm>> -> memref<20x32xf32, #tpu.memory_space<hbm>>
      %dma_start3A_242 = arith.constant 40 : i32
      %dma_start3A_243 = arith.constant 0 : i32
      %dma_start3A_244 = tpu.memref_slice %arg9[%dma_start3A_242, %dma_start3A_243] : memref<80x32xf32, #tpu.memory_space<vmem>> -> memref<20x32xf32, #tpu.memory_space<vmem>>
      tpu.enqueue_dma source(%dma_start3A_244 : memref<20x32xf32, #tpu.memory_space<vmem>>) target(%dma_start3A_241 : memref<20x32xf32, #tpu.memory_space<hbm>>) target_semaphore(%arg13 : memref<!tpu.dma_semaphore, #tpu.memory_space<semaphore_mem>>)
      %mul3A_245 = arith.constant 4 : i32
      %mul3A_246 = arith.muli %add3A_174, %mul3A_245 : i32
      %add3A_247 = arith.addi %mul3A_4, %mul3A_246 : i32
      %add3A_248 = arith.constant 3 : i32
      %add3A_249 = arith.addi %add3A_247, %add3A_248 : i32
      %dma_start3A_250 = arith.constant 60 : i32
      %dma_start3A_251 = arith.constant 0 : i32
      %dma_start3A_252 = tpu.memref_slice %arg9[%dma_start3A_250, %dma_start3A_251] : memref<80x32xf32, #tpu.memory_space<vmem>> -> memref<20x32xf32, #tpu.memory_space<vmem>>
      %dma_start3A_253 = arith.constant 0 : i32
      %dma_start3A_254 = arith.constant 0 : i32
      %dma_start3A_255 = tpu.memref_slice %arg4[%add3A_249, %dma_start3A_253, %dma_start3A_254] : memref<16384x20x32xf32, #tpu.memory_space<hbm>> -> memref<1x20x32xf32, #tpu.memory_space<hbm>>
      %dma_start3A_256 = tpu.memref_squeeze %dma_start3A_255 : memref<1x20x32xf32, #tpu.memory_space<hbm>> -> memref<20x32xf32, #tpu.memory_space<hbm>>
      %dma_start3A_257 = arith.constant 0 : i32
      %dma_start3A_258 = arith.constant 0 : i32
      %dma_start3A_259 = tpu.memref_slice %arg4[%add3A_249, %dma_start3A_257, %dma_start3A_258] : memref<16384x20x32xf32, #tpu.memory_space<hbm>> -> memref<1x20x32xf32, #tpu.memory_space<hbm>>
      %dma_start3A_260 = tpu.memref_squeeze %dma_start3A_259 : memref<1x20x32xf32, #tpu.memory_space<hbm>> -> memref<20x32xf32, #tpu.memory_space<hbm>>
      %dma_start3A_261 = arith.constant 60 : i32
      %dma_start3A_262 = arith.constant 0 : i32
      %dma_start3A_263 = tpu.memref_slice %arg9[%dma_start3A_261, %dma_start3A_262] : memref<80x32xf32, #tpu.memory_space<vmem>> -> memref<20x32xf32, #tpu.memory_space<vmem>>
      tpu.enqueue_dma source(%dma_start3A_263 : memref<20x32xf32, #tpu.memory_space<vmem>>) target(%dma_start3A_260 : memref<20x32xf32, #tpu.memory_space<hbm>>) target_semaphore(%arg13 : memref<!tpu.dma_semaphore, #tpu.memory_space<semaphore_mem>>)
      %add3A_264 = arith.constant 2 : i32
      %add3A_265 = arith.addi %add3A_174, %add3A_264 : i32
      %lt3A = arith.constant 128 : i32
      %lt3A_266 = arith.cmpi slt, %add3A_265, %lt3A : i32
      %convert_element_type3A_267 = arith.extui %lt3A_266 : i1 to i32
      %cond3A_268 = arith.constant 0 : i32
      %cond3A_269 = arith.cmpi ne, %convert_element_type3A_267, %cond3A_268 : i32
      scf.if %cond3A_269 {
        %add3A_373 = arith.constant 2 : i32
        %add3A_374 = arith.addi %add3A_174, %add3A_373 : i32
        %mul3A_375 = arith.constant 80 : i32
        %mul3A_376 = arith.muli %add3A_374, %mul3A_375 : i32
        %dma_start3A_377 = tpu.memref_slice %arg6[%mul3A_376] : memref<10240xi32, #tpu.memory_space<vmem>> -> memref<80xi32, #tpu.memory_space<vmem>>
        %dma_start3A_378 = arith.constant 0 : i32
        %dma_start3A_379 = arith.constant 0 : i32
        %dma_start3A_380 = tpu.memref_slice %arg2[%dma_start3A_378, %dma_start3A_379] : memref<250000x128xf32, #tpu.memory_space<hbm>> -> memref<250000x128xf32, #tpu.memory_space<hbm>>
        tpu.enqueue_indirect_dma source(%dma_start3A_380 : memref<250000x128xf32, #tpu.memory_space<hbm>>) target(%arg7 : memref<80x128xf32, #tpu.memory_space<vmem>>) offsets(%dma_start3A_377 : memref<80xi32, #tpu.memory_space<vmem>>) semaphore(%arg11 : memref<!tpu.dma_semaphore, #tpu.memory_space<semaphore_mem>>)
      } else {
      }
      %mul3A_270 = arith.constant 2 : i32
      %mul3A_271 = arith.muli %add3A_170, %mul3A_270 : i32
      %add3A_272 = arith.constant 1 : i32
      %add3A_273 = arith.addi %mul3A_271, %add3A_272 : i32
      %mul3A_274 = arith.constant 80 : i32
      %mul3A_275 = arith.muli %add3A_273, %mul3A_274 : i32
      %dma_wait3A_276 = tpu.memref_slice %arg6[%mul3A_275] : memref<10240xi32, #tpu.memory_space<vmem>> -> memref<80xi32, #tpu.memory_space<vmem>>
      %dma_wait3A_277 = arith.constant 0 : i32
      %dma_wait3A_278 = arith.constant 0 : i32
      %dma_wait3A_279 = tpu.memref_slice %arg2[%dma_wait3A_277, %dma_wait3A_278] : memref<250000x128xf32, #tpu.memory_space<hbm>> -> memref<250000x128xf32, #tpu.memory_space<hbm>>
      tpu.wait_indirect_dma semaphore(%arg12 : memref<!tpu.dma_semaphore, #tpu.memory_space<semaphore_mem>>) src(%dma_wait3A_279 : memref<250000x128xf32, #tpu.memory_space<hbm>>) dst(%arg8 : memref<80x128xf32, #tpu.memory_space<vmem>>)
      %gt3A_280 = arith.constant 0 : i32
      %gt3A_281 = arith.cmpi sgt, %add3A_170, %gt3A_280 : i32
      %convert_element_type3A_282 = arith.extui %gt3A_281 : i1 to i32
      %cond3A_283 = arith.constant 0 : i32
      %cond3A_284 = arith.cmpi ne, %convert_element_type3A_282, %cond3A_283 : i32
      scf.if %cond3A_284 {
        %sub3A = arith.constant 2 : i32
        %sub3A_373 = arith.subi %add3A_273, %sub3A : i32
        %mul3A_374 = arith.constant 4 : i32
        %mul3A_375 = arith.muli %sub3A_373, %mul3A_374 : i32
        %add3A_376 = arith.addi %mul3A_4, %mul3A_375 : i32
        %add3A_377 = arith.constant 0 : i32
        %add3A_378 = arith.addi %add3A_376, %add3A_377 : i32
        %dma_wait3A_379 = arith.constant 0 : i32
        %dma_wait3A_380 = arith.constant 0 : i32
        %dma_wait3A_381 = tpu.memref_slice %arg10[%dma_wait3A_379, %dma_wait3A_380] : memref<80x32xf32, #tpu.memory_space<vmem>> -> memref<20x32xf32, #tpu.memory_space<vmem>>
        %dma_wait3A_382 = arith.constant 0 : i32
        %dma_wait3A_383 = arith.constant 0 : i32
        %dma_wait3A_384 = tpu.memref_slice %arg4[%add3A_378, %dma_wait3A_382, %dma_wait3A_383] : memref<16384x20x32xf32, #tpu.memory_space<hbm>> -> memref<1x20x32xf32, #tpu.memory_space<hbm>>
        %dma_wait3A_385 = tpu.memref_squeeze %dma_wait3A_384 : memref<1x20x32xf32, #tpu.memory_space<hbm>> -> memref<20x32xf32, #tpu.memory_space<hbm>>
        %dma_wait3A_386 = arith.constant 0 : i32
        %dma_wait3A_387 = arith.constant 0 : i32
        %dma_wait3A_388 = tpu.memref_slice %arg4[%add3A_378, %dma_wait3A_386, %dma_wait3A_387] : memref<16384x20x32xf32, #tpu.memory_space<hbm>> -> memref<1x20x32xf32, #tpu.memory_space<hbm>>
        %dma_wait3A_389 = tpu.memref_squeeze %dma_wait3A_388 : memref<1x20x32xf32, #tpu.memory_space<hbm>> -> memref<20x32xf32, #tpu.memory_space<hbm>>
        %dma_wait3A_390 = arith.constant 0 : i32
        %dma_wait3A_391 = arith.constant 0 : i32
        %dma_wait3A_392 = tpu.memref_slice %arg10[%dma_wait3A_390, %dma_wait3A_391] : memref<80x32xf32, #tpu.memory_space<vmem>> -> memref<20x32xf32, #tpu.memory_space<vmem>>
        tpu.wait_dma2 semaphore(%arg14 : memref<!tpu.dma_semaphore, #tpu.memory_space<semaphore_mem>>) src(%dma_wait3A_392 : memref<20x32xf32, #tpu.memory_space<vmem>>) dst(%dma_wait3A_389 : memref<20x32xf32, #tpu.memory_space<hbm>>)
        %mul3A_393 = arith.constant 4 : i32
        %mul3A_394 = arith.muli %sub3A_373, %mul3A_393 : i32
        %add3A_395 = arith.addi %mul3A_4, %mul3A_394 : i32
        %add3A_396 = arith.constant 1 : i32
        %add3A_397 = arith.addi %add3A_395, %add3A_396 : i32
        %dma_wait3A_398 = arith.constant 20 : i32
        %dma_wait3A_399 = arith.constant 0 : i32
        %dma_wait3A_400 = tpu.memref_slice %arg10[%dma_wait3A_398, %dma_wait3A_399] : memref<80x32xf32, #tpu.memory_space<vmem>> -> memref<20x32xf32, #tpu.memory_space<vmem>>
        %dma_wait3A_401 = arith.constant 0 : i32
        %dma_wait3A_402 = arith.constant 0 : i32
        %dma_wait3A_403 = tpu.memref_slice %arg4[%add3A_397, %dma_wait3A_401, %dma_wait3A_402] : memref<16384x20x32xf32, #tpu.memory_space<hbm>> -> memref<1x20x32xf32, #tpu.memory_space<hbm>>
        %dma_wait3A_404 = tpu.memref_squeeze %dma_wait3A_403 : memref<1x20x32xf32, #tpu.memory_space<hbm>> -> memref<20x32xf32, #tpu.memory_space<hbm>>
        %dma_wait3A_405 = arith.constant 0 : i32
        %dma_wait3A_406 = arith.constant 0 : i32
        %dma_wait3A_407 = tpu.memref_slice %arg4[%add3A_397, %dma_wait3A_405, %dma_wait3A_406] : memref<16384x20x32xf32, #tpu.memory_space<hbm>> -> memref<1x20x32xf32, #tpu.memory_space<hbm>>
        %dma_wait3A_408 = tpu.memref_squeeze %dma_wait3A_407 : memref<1x20x32xf32, #tpu.memory_space<hbm>> -> memref<20x32xf32, #tpu.memory_space<hbm>>
        %dma_wait3A_409 = arith.constant 20 : i32
        %dma_wait3A_410 = arith.constant 0 : i32
        %dma_wait3A_411 = tpu.memref_slice %arg10[%dma_wait3A_409, %dma_wait3A_410] : memref<80x32xf32, #tpu.memory_space<vmem>> -> memref<20x32xf32, #tpu.memory_space<vmem>>
        tpu.wait_dma2 semaphore(%arg14 : memref<!tpu.dma_semaphore, #tpu.memory_space<semaphore_mem>>) src(%dma_wait3A_411 : memref<20x32xf32, #tpu.memory_space<vmem>>) dst(%dma_wait3A_408 : memref<20x32xf32, #tpu.memory_space<hbm>>)
        %mul3A_412 = arith.constant 4 : i32
        %mul3A_413 = arith.muli %sub3A_373, %mul3A_412 : i32
        %add3A_414 = arith.addi %mul3A_4, %mul3A_413 : i32
        %add3A_415 = arith.constant 2 : i32
        %add3A_416 = arith.addi %add3A_414, %add3A_415 : i32
        %dma_wait3A_417 = arith.constant 40 : i32
        %dma_wait3A_418 = arith.constant 0 : i32
        %dma_wait3A_419 = tpu.memref_slice %arg10[%dma_wait3A_417, %dma_wait3A_418] : memref<80x32xf32, #tpu.memory_space<vmem>> -> memref<20x32xf32, #tpu.memory_space<vmem>>
        %dma_wait3A_420 = arith.constant 0 : i32
        %dma_wait3A_421 = arith.constant 0 : i32
        %dma_wait3A_422 = tpu.memref_slice %arg4[%add3A_416, %dma_wait3A_420, %dma_wait3A_421] : memref<16384x20x32xf32, #tpu.memory_space<hbm>> -> memref<1x20x32xf32, #tpu.memory_space<hbm>>
        %dma_wait3A_423 = tpu.memref_squeeze %dma_wait3A_422 : memref<1x20x32xf32, #tpu.memory_space<hbm>> -> memref<20x32xf32, #tpu.memory_space<hbm>>
        %dma_wait3A_424 = arith.constant 0 : i32
        %dma_wait3A_425 = arith.constant 0 : i32
        %dma_wait3A_426 = tpu.memref_slice %arg4[%add3A_416, %dma_wait3A_424, %dma_wait3A_425] : memref<16384x20x32xf32, #tpu.memory_space<hbm>> -> memref<1x20x32xf32, #tpu.memory_space<hbm>>
        %dma_wait3A_427 = tpu.memref_squeeze %dma_wait3A_426 : memref<1x20x32xf32, #tpu.memory_space<hbm>> -> memref<20x32xf32, #tpu.memory_space<hbm>>
        %dma_wait3A_428 = arith.constant 40 : i32
        %dma_wait3A_429 = arith.constant 0 : i32
        %dma_wait3A_430 = tpu.memref_slice %arg10[%dma_wait3A_428, %dma_wait3A_429] : memref<80x32xf32, #tpu.memory_space<vmem>> -> memref<20x32xf32, #tpu.memory_space<vmem>>
        tpu.wait_dma2 semaphore(%arg14 : memref<!tpu.dma_semaphore, #tpu.memory_space<semaphore_mem>>) src(%dma_wait3A_430 : memref<20x32xf32, #tpu.memory_space<vmem>>) dst(%dma_wait3A_427 : memref<20x32xf32, #tpu.memory_space<hbm>>)
        %mul3A_431 = arith.constant 4 : i32
        %mul3A_432 = arith.muli %sub3A_373, %mul3A_431 : i32
        %add3A_433 = arith.addi %mul3A_4, %mul3A_432 : i32
        %add3A_434 = arith.constant 3 : i32
        %add3A_435 = arith.addi %add3A_433, %add3A_434 : i32
        %dma_wait3A_436 = arith.constant 60 : i32
        %dma_wait3A_437 = arith.constant 0 : i32
        %dma_wait3A_438 = tpu.memref_slice %arg10[%dma_wait3A_436, %dma_wait3A_437] : memref<80x32xf32, #tpu.memory_space<vmem>> -> memref<20x32xf32, #tpu.memory_space<vmem>>
        %dma_wait3A_439 = arith.constant 0 : i32
        %dma_wait3A_440 = arith.constant 0 : i32
        %dma_wait3A_441 = tpu.memref_slice %arg4[%add3A_435, %dma_wait3A_439, %dma_wait3A_440] : memref<16384x20x32xf32, #tpu.memory_space<hbm>> -> memref<1x20x32xf32, #tpu.memory_space<hbm>>
        %dma_wait3A_442 = tpu.memref_squeeze %dma_wait3A_441 : memref<1x20x32xf32, #tpu.memory_space<hbm>> -> memref<20x32xf32, #tpu.memory_space<hbm>>
        %dma_wait3A_443 = arith.constant 0 : i32
        %dma_wait3A_444 = arith.constant 0 : i32
        %dma_wait3A_445 = tpu.memref_slice %arg4[%add3A_435, %dma_wait3A_443, %dma_wait3A_444] : memref<16384x20x32xf32, #tpu.memory_space<hbm>> -> memref<1x20x32xf32, #tpu.memory_space<hbm>>
        %dma_wait3A_446 = tpu.memref_squeeze %dma_wait3A_445 : memref<1x20x32xf32, #tpu.memory_space<hbm>> -> memref<20x32xf32, #tpu.memory_space<hbm>>
        %dma_wait3A_447 = arith.constant 60 : i32
        %dma_wait3A_448 = arith.constant 0 : i32
        %dma_wait3A_449 = tpu.memref_slice %arg10[%dma_wait3A_447, %dma_wait3A_448] : memref<80x32xf32, #tpu.memory_space<vmem>> -> memref<20x32xf32, #tpu.memory_space<vmem>>
        tpu.wait_dma2 semaphore(%arg14 : memref<!tpu.dma_semaphore, #tpu.memory_space<semaphore_mem>>) src(%dma_wait3A_449 : memref<20x32xf32, #tpu.memory_space<vmem>>) dst(%dma_wait3A_446 : memref<20x32xf32, #tpu.memory_space<hbm>>)
      } else {
      }
      %scan3A_285 = arith.constant 0 : i32
      %scan3A_286 = arith.constant 5 : i32
      %scan3A_287 = arith.addi %scan3A_285, %scan3A_286 : i32
      %scan3A_288 = arith.constant 1 : i32
      scf.for %scan3A_373 = %scan3A_285 to %scan3A_287 step %scan3A_288  : i32 {
        %mul3A_374 = arith.constant 16 : i32
        %mul3A_375 = arith.muli %scan3A_373, %mul3A_374 : i32
        %add3A_376 = arith.constant 0 : i32
        %add3A_377 = arith.addi %add3A_376, %mul3A_375 : i32
        %mul3A_378 = arith.constant 80 : i32
        %mul3A_379 = arith.muli %add3A_273, %mul3A_378 : i32
        %add3A_380 = arith.addi %mul3A_379, %add3A_377 : i32
        %get3A = arith.index_cast %add3A_380 : i32 to index
        %get3A_381 = tpu.vector_load %arg5[%get3A] {strides = array<i32>} : memref<10240xi32, #tpu.memory_space<vmem>>, vector<16xi32>,
        %and3A = arith.constant 3 : i32
        %and3A_382 = vector.broadcast %and3A : i32 to vector<16xi32>
        %and3A_383 = arith.andi %get3A_381, %and3A_382 : vector<16xi32>
        %mul3A_384 = arith.constant 32 : i32
        %mul3A_385 = vector.broadcast %mul3A_384 : i32 to vector<16xi32>
        %mul3A_386 = arith.muli %and3A_383, %mul3A_385 : vector<16xi32>
        %slice3A = vector.extract_strided_slice %mul3A_386 {offsets = [0], sizes = [1], strides = [1]} : vector<16xi32> to vector<1xi32>
        %squeeze3A = vector.extract %slice3A[0] : i32 from vector<1xi32>
        %add3A_387 = arith.constant 0 : i32
        %add3A_388 = arith.addi %add3A_377, %add3A_387 : i32
        %get3A_389 = arith.index_cast %add3A_388 : i32 to index
        %get3A_390 = arith.index_cast %squeeze3A : i32 to index
        %get3A_391 = tpu.vector_load %arg8[%get3A_389, %get3A_390] {strides = array<i32>} : memref<80x128xf32, #tpu.memory_space<vmem>>, vector<16xf32>,
        %swap3A = arith.index_cast %add3A_388 : i32 to index
        %swap3A_392 = arith.constant 0 : index
        %swap3A_393 = tpu.vector_load %arg10[%swap3A, %swap3A_392] {strides = array<i32>} : memref<80x32xf32, #tpu.memory_space<vmem>>, vector<16xf32>,
        tpu.vector_store %arg10[%swap3A, %swap3A_392], %get3A_391 {strides = array<i32>} : memref<80x32xf32, #tpu.memory_space<vmem>>, vector<16xf32>,
        %add3A_394 = arith.constant 16 : i32
        %add3A_395 = arith.addi %squeeze3A, %add3A_394 : i32
        %get3A_396 = arith.index_cast %add3A_388 : i32 to index
        %get3A_397 = arith.index_cast %add3A_395 : i32 to index
        %get3A_398 = tpu.vector_load %arg8[%get3A_396, %get3A_397] {strides = array<i32>} : memref<80x128xf32, #tpu.memory_space<vmem>>, vector<16xf32>,
        %swap3A_399 = arith.index_cast %add3A_388 : i32 to index
        %swap3A_400 = arith.constant 16 : index
        %swap3A_401 = tpu.vector_load %arg10[%swap3A_399, %swap3A_400] {strides = array<i32>} : memref<80x32xf32, #tpu.memory_space<vmem>>, vector<16xf32>,
        tpu.vector_store %arg10[%swap3A_399, %swap3A_400], %get3A_398 {strides = array<i32>} : memref<80x32xf32, #tpu.memory_space<vmem>>, vector<16xf32>,
        %slice3A_402 = vector.extract_strided_slice %mul3A_386 {offsets = [1], sizes = [1], strides = [1]} : vector<16xi32> to vector<1xi32>
        %squeeze3A_403 = vector.extract %slice3A_402[0] : i32 from vector<1xi32>
        %add3A_404 = arith.constant 1 : i32
        %add3A_405 = arith.addi %add3A_377, %add3A_404 : i32
        %get3A_406 = arith.index_cast %add3A_405 : i32 to index
        %get3A_407 = arith.index_cast %squeeze3A_403 : i32 to index
        %get3A_408 = tpu.vector_load %arg8[%get3A_406, %get3A_407] {strides = array<i32>} : memref<80x128xf32, #tpu.memory_space<vmem>>, vector<16xf32>,
        %swap3A_409 = arith.index_cast %add3A_405 : i32 to index
        %swap3A_410 = arith.constant 0 : index
        %swap3A_411 = tpu.vector_load %arg10[%swap3A_409, %swap3A_410] {strides = array<i32>} : memref<80x32xf32, #tpu.memory_space<vmem>>, vector<16xf32>,
        tpu.vector_store %arg10[%swap3A_409, %swap3A_410], %get3A_408 {strides = array<i32>} : memref<80x32xf32, #tpu.memory_space<vmem>>, vector<16xf32>,
        %add3A_412 = arith.constant 16 : i32
        %add3A_413 = arith.addi %squeeze3A_403, %add3A_412 : i32
        %get3A_414 = arith.index_cast %add3A_405 : i32 to index
        %get3A_415 = arith.index_cast %add3A_413 : i32 to index
        %get3A_416 = tpu.vector_load %arg8[%get3A_414, %get3A_415] {strides = array<i32>} : memref<80x128xf32, #tpu.memory_space<vmem>>, vector<16xf32>,
        %swap3A_417 = arith.index_cast %add3A_405 : i32 to index
        %swap3A_418 = arith.constant 16 : index
        %swap3A_419 = tpu.vector_load %arg10[%swap3A_417, %swap3A_418] {strides = array<i32>} : memref<80x32xf32, #tpu.memory_space<vmem>>, vector<16xf32>,
        tpu.vector_store %arg10[%swap3A_417, %swap3A_418], %get3A_416 {strides = array<i32>} : memref<80x32xf32, #tpu.memory_space<vmem>>, vector<16xf32>,
        %slice3A_420 = vector.extract_strided_slice %mul3A_386 {offsets = [2], sizes = [1], strides = [1]} : vector<16xi32> to vector<1xi32>
        %squeeze3A_421 = vector.extract %slice3A_420[0] : i32 from vector<1xi32>
        %add3A_422 = arith.constant 2 : i32
        %add3A_423 = arith.addi %add3A_377, %add3A_422 : i32
        %get3A_424 = arith.index_cast %add3A_423 : i32 to index
        %get3A_425 = arith.index_cast %squeeze3A_421 : i32 to index
        %get3A_426 = tpu.vector_load %arg8[%get3A_424, %get3A_425] {strides = array<i32>} : memref<80x128xf32, #tpu.memory_space<vmem>>, vector<16xf32>,
        %swap3A_427 = arith.index_cast %add3A_423 : i32 to index
        %swap3A_428 = arith.constant 0 : index
        %swap3A_429 = tpu.vector_load %arg10[%swap3A_427, %swap3A_428] {strides = array<i32>} : memref<80x32xf32, #tpu.memory_space<vmem>>, vector<16xf32>,
        tpu.vector_store %arg10[%swap3A_427, %swap3A_428], %get3A_426 {strides = array<i32>} : memref<80x32xf32, #tpu.memory_space<vmem>>, vector<16xf32>,
        %add3A_430 = arith.constant 16 : i32
        %add3A_431 = arith.addi %squeeze3A_421, %add3A_430 : i32
        %get3A_432 = arith.index_cast %add3A_423 : i32 to index
        %get3A_433 = arith.index_cast %add3A_431 : i32 to index
        %get3A_434 = tpu.vector_load %arg8[%get3A_432, %get3A_433] {strides = array<i32>} : memref<80x128xf32, #tpu.memory_space<vmem>>, vector<16xf32>,
        %swap3A_435 = arith.index_cast %add3A_423 : i32 to index
        %swap3A_436 = arith.constant 16 : index
        %swap3A_437 = tpu.vector_load %arg10[%swap3A_435, %swap3A_436] {strides = array<i32>} : memref<80x32xf32, #tpu.memory_space<vmem>>, vector<16xf32>,
        tpu.vector_store %arg10[%swap3A_435, %swap3A_436], %get3A_434 {strides = array<i32>} : memref<80x32xf32, #tpu.memory_space<vmem>>, vector<16xf32>,
        %slice3A_438 = vector.extract_strided_slice %mul3A_386 {offsets = [3], sizes = [1], strides = [1]} : vector<16xi32> to vector<1xi32>
        %squeeze3A_439 = vector.extract %slice3A_438[0] : i32 from vector<1xi32>
        %add3A_440 = arith.constant 3 : i32
        %add3A_441 = arith.addi %add3A_377, %add3A_440 : i32
        %get3A_442 = arith.index_cast %add3A_441 : i32 to index
        %get3A_443 = arith.index_cast %squeeze3A_439 : i32 to index
        %get3A_444 = tpu.vector_load %arg8[%get3A_442, %get3A_443] {strides = array<i32>} : memref<80x128xf32, #tpu.memory_space<vmem>>, vector<16xf32>,
        %swap3A_445 = arith.index_cast %add3A_441 : i32 to index
        %swap3A_446 = arith.constant 0 : index
        %swap3A_447 = tpu.vector_load %arg10[%swap3A_445, %swap3A_446] {strides = array<i32>} : memref<80x32xf32, #tpu.memory_space<vmem>>, vector<16xf32>,
        tpu.vector_store %arg10[%swap3A_445, %swap3A_446], %get3A_444 {strides = array<i32>} : memref<80x32xf32, #tpu.memory_space<vmem>>, vector<16xf32>,
        %add3A_448 = arith.constant 16 : i32
        %add3A_449 = arith.addi %squeeze3A_439, %add3A_448 : i32
        %get3A_450 = arith.index_cast %add3A_441 : i32 to index
        %get3A_451 = arith.index_cast %add3A_449 : i32 to index
        %get3A_452 = tpu.vector_load %arg8[%get3A_450, %get3A_451] {strides = array<i32>} : memref<80x128xf32, #tpu.memory_space<vmem>>, vector<16xf32>,
        %swap3A_453 = arith.index_cast %add3A_441 : i32 to index
        %swap3A_454 = arith.constant 16 : index
        %swap3A_455 = tpu.vector_load %arg10[%swap3A_453, %swap3A_454] {strides = array<i32>} : memref<80x32xf32, #tpu.memory_space<vmem>>, vector<16xf32>,
        tpu.vector_store %arg10[%swap3A_453, %swap3A_454], %get3A_452 {strides = array<i32>} : memref<80x32xf32, #tpu.memory_space<vmem>>, vector<16xf32>,
        %slice3A_456 = vector.extract_strided_slice %mul3A_386 {offsets = [4], sizes = [1], strides = [1]} : vector<16xi32> to vector<1xi32>
        %squeeze3A_457 = vector.extract %slice3A_456[0] : i32 from vector<1xi32>
        %add3A_458 = arith.constant 4 : i32
        %add3A_459 = arith.addi %add3A_377, %add3A_458 : i32
        %get3A_460 = arith.index_cast %add3A_459 : i32 to index
        %get3A_461 = arith.index_cast %squeeze3A_457 : i32 to index
        %get3A_462 = tpu.vector_load %arg8[%get3A_460, %get3A_461] {strides = array<i32>} : memref<80x128xf32, #tpu.memory_space<vmem>>, vector<16xf32>,
        %swap3A_463 = arith.index_cast %add3A_459 : i32 to index
        %swap3A_464 = arith.constant 0 : index
        %swap3A_465 = tpu.vector_load %arg10[%swap3A_463, %swap3A_464] {strides = array<i32>} : memref<80x32xf32, #tpu.memory_space<vmem>>, vector<16xf32>,
        tpu.vector_store %arg10[%swap3A_463, %swap3A_464], %get3A_462 {strides = array<i32>} : memref<80x32xf32, #tpu.memory_space<vmem>>, vector<16xf32>,
        %add3A_466 = arith.constant 16 : i32
        %add3A_467 = arith.addi %squeeze3A_457, %add3A_466 : i32
        %get3A_468 = arith.index_cast %add3A_459 : i32 to index
        %get3A_469 = arith.index_cast %add3A_467 : i32 to index
        %get3A_470 = tpu.vector_load %arg8[%get3A_468, %get3A_469] {strides = array<i32>} : memref<80x128xf32, #tpu.memory_space<vmem>>, vector<16xf32>,
        %swap3A_471 = arith.index_cast %add3A_459 : i32 to index
        %swap3A_472 = arith.constant 16 : index
        %swap3A_473 = tpu.vector_load %arg10[%swap3A_471, %swap3A_472] {strides = array<i32>} : memref<80x32xf32, #tpu.memory_space<vmem>>, vector<16xf32>,
        tpu.vector_store %arg10[%swap3A_471, %swap3A_472], %get3A_470 {strides = array<i32>} : memref<80x32xf32, #tpu.memory_space<vmem>>, vector<16xf32>,
        %slice3A_474 = vector.extract_strided_slice %mul3A_386 {offsets = [5], sizes = [1], strides = [1]} : vector<16xi32> to vector<1xi32>
        %squeeze3A_475 = vector.extract %slice3A_474[0] : i32 from vector<1xi32>
        %add3A_476 = arith.constant 5 : i32
        %add3A_477 = arith.addi %add3A_377, %add3A_476 : i32
        %get3A_478 = arith.index_cast %add3A_477 : i32 to index
        %get3A_479 = arith.index_cast %squeeze3A_475 : i32 to index
        %get3A_480 = tpu.vector_load %arg8[%get3A_478, %get3A_479] {strides = array<i32>} : memref<80x128xf32, #tpu.memory_space<vmem>>, vector<16xf32>,
        %swap3A_481 = arith.index_cast %add3A_477 : i32 to index
        %swap3A_482 = arith.constant 0 : index
        %swap3A_483 = tpu.vector_load %arg10[%swap3A_481, %swap3A_482] {strides = array<i32>} : memref<80x32xf32, #tpu.memory_space<vmem>>, vector<16xf32>,
        tpu.vector_store %arg10[%swap3A_481, %swap3A_482], %get3A_480 {strides = array<i32>} : memref<80x32xf32, #tpu.memory_space<vmem>>, vector<16xf32>,
        %add3A_484 = arith.constant 16 : i32
        %add3A_485 = arith.addi %squeeze3A_475, %add3A_484 : i32
        %get3A_486 = arith.index_cast %add3A_477 : i32 to index
        %get3A_487 = arith.index_cast %add3A_485 : i32 to index
        %get3A_488 = tpu.vector_load %arg8[%get3A_486, %get3A_487] {strides = array<i32>} : memref<80x128xf32, #tpu.memory_space<vmem>>, vector<16xf32>,
        %swap3A_489 = arith.index_cast %add3A_477 : i32 to index
        %swap3A_490 = arith.constant 16 : index
        %swap3A_491 = tpu.vector_load %arg10[%swap3A_489, %swap3A_490] {strides = array<i32>} : memref<80x32xf32, #tpu.memory_space<vmem>>, vector<16xf32>,
        tpu.vector_store %arg10[%swap3A_489, %swap3A_490], %get3A_488 {strides = array<i32>} : memref<80x32xf32, #tpu.memory_space<vmem>>, vector<16xf32>,
        %slice3A_492 = vector.extract_strided_slice %mul3A_386 {offsets = [6], sizes = [1], strides = [1]} : vector<16xi32> to vector<1xi32>
        %squeeze3A_493 = vector.extract %slice3A_492[0] : i32 from vector<1xi32>
        %add3A_494 = arith.constant 6 : i32
        %add3A_495 = arith.addi %add3A_377, %add3A_494 : i32
        %get3A_496 = arith.index_cast %add3A_495 : i32 to index
        %get3A_497 = arith.index_cast %squeeze3A_493 : i32 to index
        %get3A_498 = tpu.vector_load %arg8[%get3A_496, %get3A_497] {strides = array<i32>} : memref<80x128xf32, #tpu.memory_space<vmem>>, vector<16xf32>,
        %swap3A_499 = arith.index_cast %add3A_495 : i32 to index
        %swap3A_500 = arith.constant 0 : index
        %swap3A_501 = tpu.vector_load %arg10[%swap3A_499, %swap3A_500] {strides = array<i32>} : memref<80x32xf32, #tpu.memory_space<vmem>>, vector<16xf32>,
        tpu.vector_store %arg10[%swap3A_499, %swap3A_500], %get3A_498 {strides = array<i32>} : memref<80x32xf32, #tpu.memory_space<vmem>>, vector<16xf32>,
        %add3A_502 = arith.constant 16 : i32
        %add3A_503 = arith.addi %squeeze3A_493, %add3A_502 : i32
        %get3A_504 = arith.index_cast %add3A_495 : i32 to index
        %get3A_505 = arith.index_cast %add3A_503 : i32 to index
        %get3A_506 = tpu.vector_load %arg8[%get3A_504, %get3A_505] {strides = array<i32>} : memref<80x128xf32, #tpu.memory_space<vmem>>, vector<16xf32>,
        %swap3A_507 = arith.index_cast %add3A_495 : i32 to index
        %swap3A_508 = arith.constant 16 : index
        %swap3A_509 = tpu.vector_load %arg10[%swap3A_507, %swap3A_508] {strides = array<i32>} : memref<80x32xf32, #tpu.memory_space<vmem>>, vector<16xf32>,
        tpu.vector_store %arg10[%swap3A_507, %swap3A_508], %get3A_506 {strides = array<i32>} : memref<80x32xf32, #tpu.memory_space<vmem>>, vector<16xf32>,
        %slice3A_510 = vector.extract_strided_slice %mul3A_386 {offsets = [7], sizes = [1], strides = [1]} : vector<16xi32> to vector<1xi32>
        %squeeze3A_511 = vector.extract %slice3A_510[0] : i32 from vector<1xi32>
        %add3A_512 = arith.constant 7 : i32
        %add3A_513 = arith.addi %add3A_377, %add3A_512 : i32
        %get3A_514 = arith.index_cast %add3A_513 : i32 to index
        %get3A_515 = arith.index_cast %squeeze3A_511 : i32 to index
        %get3A_516 = tpu.vector_load %arg8[%get3A_514, %get3A_515] {strides = array<i32>} : memref<80x128xf32, #tpu.memory_space<vmem>>, vector<16xf32>,
        %swap3A_517 = arith.index_cast %add3A_513 : i32 to index
        %swap3A_518 = arith.constant 0 : index
        %swap3A_519 = tpu.vector_load %arg10[%swap3A_517, %swap3A_518] {strides = array<i32>} : memref<80x32xf32, #tpu.memory_space<vmem>>, vector<16xf32>,
        tpu.vector_store %arg10[%swap3A_517, %swap3A_518], %get3A_516 {strides = array<i32>} : memref<80x32xf32, #tpu.memory_space<vmem>>, vector<16xf32>,
        %add3A_520 = arith.constant 16 : i32
        %add3A_521 = arith.addi %squeeze3A_511, %add3A_520 : i32
        %get3A_522 = arith.index_cast %add3A_513 : i32 to index
        %get3A_523 = arith.index_cast %add3A_521 : i32 to index
        %get3A_524 = tpu.vector_load %arg8[%get3A_522, %get3A_523] {strides = array<i32>} : memref<80x128xf32, #tpu.memory_space<vmem>>, vector<16xf32>,
        %swap3A_525 = arith.index_cast %add3A_513 : i32 to index
        %swap3A_526 = arith.constant 16 : index
        %swap3A_527 = tpu.vector_load %arg10[%swap3A_525, %swap3A_526] {strides = array<i32>} : memref<80x32xf32, #tpu.memory_space<vmem>>, vector<16xf32>,
        tpu.vector_store %arg10[%swap3A_525, %swap3A_526], %get3A_524 {strides = array<i32>} : memref<80x32xf32, #tpu.memory_space<vmem>>, vector<16xf32>,
        %slice3A_528 = vector.extract_strided_slice %mul3A_386 {offsets = [8], sizes = [1], strides = [1]} : vector<16xi32> to vector<1xi32>
        %squeeze3A_529 = vector.extract %slice3A_528[0] : i32 from vector<1xi32>
        %add3A_530 = arith.constant 8 : i32
        %add3A_531 = arith.addi %add3A_377, %add3A_530 : i32
        %get3A_532 = arith.index_cast %add3A_531 : i32 to index
        %get3A_533 = arith.index_cast %squeeze3A_529 : i32 to index
        %get3A_534 = tpu.vector_load %arg8[%get3A_532, %get3A_533] {strides = array<i32>} : memref<80x128xf32, #tpu.memory_space<vmem>>, vector<16xf32>,
        %swap3A_535 = arith.index_cast %add3A_531 : i32 to index
        %swap3A_536 = arith.constant 0 : index
        %swap3A_537 = tpu.vector_load %arg10[%swap3A_535, %swap3A_536] {strides = array<i32>} : memref<80x32xf32, #tpu.memory_space<vmem>>, vector<16xf32>,
        tpu.vector_store %arg10[%swap3A_535, %swap3A_536], %get3A_534 {strides = array<i32>} : memref<80x32xf32, #tpu.memory_space<vmem>>, vector<16xf32>,
        %add3A_538 = arith.constant 16 : i32
        %add3A_539 = arith.addi %squeeze3A_529, %add3A_538 : i32
        %get3A_540 = arith.index_cast %add3A_531 : i32 to index
        %get3A_541 = arith.index_cast %add3A_539 : i32 to index
        %get3A_542 = tpu.vector_load %arg8[%get3A_540, %get3A_541] {strides = array<i32>} : memref<80x128xf32, #tpu.memory_space<vmem>>, vector<16xf32>,
        %swap3A_543 = arith.index_cast %add3A_531 : i32 to index
        %swap3A_544 = arith.constant 16 : index
        %swap3A_545 = tpu.vector_load %arg10[%swap3A_543, %swap3A_544] {strides = array<i32>} : memref<80x32xf32, #tpu.memory_space<vmem>>, vector<16xf32>,
        tpu.vector_store %arg10[%swap3A_543, %swap3A_544], %get3A_542 {strides = array<i32>} : memref<80x32xf32, #tpu.memory_space<vmem>>, vector<16xf32>,
        %slice3A_546 = vector.extract_strided_slice %mul3A_386 {offsets = [9], sizes = [1], strides = [1]} : vector<16xi32> to vector<1xi32>
        %squeeze3A_547 = vector.extract %slice3A_546[0] : i32 from vector<1xi32>
        %add3A_548 = arith.constant 9 : i32
        %add3A_549 = arith.addi %add3A_377, %add3A_548 : i32
        %get3A_550 = arith.index_cast %add3A_549 : i32 to index
        %get3A_551 = arith.index_cast %squeeze3A_547 : i32 to index
        %get3A_552 = tpu.vector_load %arg8[%get3A_550, %get3A_551] {strides = array<i32>} : memref<80x128xf32, #tpu.memory_space<vmem>>, vector<16xf32>,
        %swap3A_553 = arith.index_cast %add3A_549 : i32 to index
        %swap3A_554 = arith.constant 0 : index
        %swap3A_555 = tpu.vector_load %arg10[%swap3A_553, %swap3A_554] {strides = array<i32>} : memref<80x32xf32, #tpu.memory_space<vmem>>, vector<16xf32>,
        tpu.vector_store %arg10[%swap3A_553, %swap3A_554], %get3A_552 {strides = array<i32>} : memref<80x32xf32, #tpu.memory_space<vmem>>, vector<16xf32>,
        %add3A_556 = arith.constant 16 : i32
        %add3A_557 = arith.addi %squeeze3A_547, %add3A_556 : i32
        %get3A_558 = arith.index_cast %add3A_549 : i32 to index
        %get3A_559 = arith.index_cast %add3A_557 : i32 to index
        %get3A_560 = tpu.vector_load %arg8[%get3A_558, %get3A_559] {strides = array<i32>} : memref<80x128xf32, #tpu.memory_space<vmem>>, vector<16xf32>,
        %swap3A_561 = arith.index_cast %add3A_549 : i32 to index
        %swap3A_562 = arith.constant 16 : index
        %swap3A_563 = tpu.vector_load %arg10[%swap3A_561, %swap3A_562] {strides = array<i32>} : memref<80x32xf32, #tpu.memory_space<vmem>>, vector<16xf32>,
        tpu.vector_store %arg10[%swap3A_561, %swap3A_562], %get3A_560 {strides = array<i32>} : memref<80x32xf32, #tpu.memory_space<vmem>>, vector<16xf32>,
        %slice3A_564 = vector.extract_strided_slice %mul3A_386 {offsets = [10], sizes = [1], strides = [1]} : vector<16xi32> to vector<1xi32>
        %squeeze3A_565 = vector.extract %slice3A_564[0] : i32 from vector<1xi32>
        %add3A_566 = arith.constant 10 : i32
        %add3A_567 = arith.addi %add3A_377, %add3A_566 : i32
        %get3A_568 = arith.index_cast %add3A_567 : i32 to index
        %get3A_569 = arith.index_cast %squeeze3A_565 : i32 to index
        %get3A_570 = tpu.vector_load %arg8[%get3A_568, %get3A_569] {strides = array<i32>} : memref<80x128xf32, #tpu.memory_space<vmem>>, vector<16xf32>,
        %swap3A_571 = arith.index_cast %add3A_567 : i32 to index
        %swap3A_572 = arith.constant 0 : index
        %swap3A_573 = tpu.vector_load %arg10[%swap3A_571, %swap3A_572] {strides = array<i32>} : memref<80x32xf32, #tpu.memory_space<vmem>>, vector<16xf32>,
        tpu.vector_store %arg10[%swap3A_571, %swap3A_572], %get3A_570 {strides = array<i32>} : memref<80x32xf32, #tpu.memory_space<vmem>>, vector<16xf32>,
        %add3A_574 = arith.constant 16 : i32
        %add3A_575 = arith.addi %squeeze3A_565, %add3A_574 : i32
        %get3A_576 = arith.index_cast %add3A_567 : i32 to index
        %get3A_577 = arith.index_cast %add3A_575 : i32 to index
        %get3A_578 = tpu.vector_load %arg8[%get3A_576, %get3A_577] {strides = array<i32>} : memref<80x128xf32, #tpu.memory_space<vmem>>, vector<16xf32>,
        %swap3A_579 = arith.index_cast %add3A_567 : i32 to index
        %swap3A_580 = arith.constant 16 : index
        %swap3A_581 = tpu.vector_load %arg10[%swap3A_579, %swap3A_580] {strides = array<i32>} : memref<80x32xf32, #tpu.memory_space<vmem>>, vector<16xf32>,
        tpu.vector_store %arg10[%swap3A_579, %swap3A_580], %get3A_578 {strides = array<i32>} : memref<80x32xf32, #tpu.memory_space<vmem>>, vector<16xf32>,
        %slice3A_582 = vector.extract_strided_slice %mul3A_386 {offsets = [11], sizes = [1], strides = [1]} : vector<16xi32> to vector<1xi32>
        %squeeze3A_583 = vector.extract %slice3A_582[0] : i32 from vector<1xi32>
        %add3A_584 = arith.constant 11 : i32
        %add3A_585 = arith.addi %add3A_377, %add3A_584 : i32
        %get3A_586 = arith.index_cast %add3A_585 : i32 to index
        %get3A_587 = arith.index_cast %squeeze3A_583 : i32 to index
        %get3A_588 = tpu.vector_load %arg8[%get3A_586, %get3A_587] {strides = array<i32>} : memref<80x128xf32, #tpu.memory_space<vmem>>, vector<16xf32>,
        %swap3A_589 = arith.index_cast %add3A_585 : i32 to index
        %swap3A_590 = arith.constant 0 : index
        %swap3A_591 = tpu.vector_load %arg10[%swap3A_589, %swap3A_590] {strides = array<i32>} : memref<80x32xf32, #tpu.memory_space<vmem>>, vector<16xf32>,
        tpu.vector_store %arg10[%swap3A_589, %swap3A_590], %get3A_588 {strides = array<i32>} : memref<80x32xf32, #tpu.memory_space<vmem>>, vector<16xf32>,
        %add3A_592 = arith.constant 16 : i32
        %add3A_593 = arith.addi %squeeze3A_583, %add3A_592 : i32
        %get3A_594 = arith.index_cast %add3A_585 : i32 to index
        %get3A_595 = arith.index_cast %add3A_593 : i32 to index
        %get3A_596 = tpu.vector_load %arg8[%get3A_594, %get3A_595] {strides = array<i32>} : memref<80x128xf32, #tpu.memory_space<vmem>>, vector<16xf32>,
        %swap3A_597 = arith.index_cast %add3A_585 : i32 to index
        %swap3A_598 = arith.constant 16 : index
        %swap3A_599 = tpu.vector_load %arg10[%swap3A_597, %swap3A_598] {strides = array<i32>} : memref<80x32xf32, #tpu.memory_space<vmem>>, vector<16xf32>,
        tpu.vector_store %arg10[%swap3A_597, %swap3A_598], %get3A_596 {strides = array<i32>} : memref<80x32xf32, #tpu.memory_space<vmem>>, vector<16xf32>,
        %slice3A_600 = vector.extract_strided_slice %mul3A_386 {offsets = [12], sizes = [1], strides = [1]} : vector<16xi32> to vector<1xi32>
        %squeeze3A_601 = vector.extract %slice3A_600[0] : i32 from vector<1xi32>
        %add3A_602 = arith.constant 12 : i32
        %add3A_603 = arith.addi %add3A_377, %add3A_602 : i32
        %get3A_604 = arith.index_cast %add3A_603 : i32 to index
        %get3A_605 = arith.index_cast %squeeze3A_601 : i32 to index
        %get3A_606 = tpu.vector_load %arg8[%get3A_604, %get3A_605] {strides = array<i32>} : memref<80x128xf32, #tpu.memory_space<vmem>>, vector<16xf32>,
        %swap3A_607 = arith.index_cast %add3A_603 : i32 to index
        %swap3A_608 = arith.constant 0 : index
        %swap3A_609 = tpu.vector_load %arg10[%swap3A_607, %swap3A_608] {strides = array<i32>} : memref<80x32xf32, #tpu.memory_space<vmem>>, vector<16xf32>,
        tpu.vector_store %arg10[%swap3A_607, %swap3A_608], %get3A_606 {strides = array<i32>} : memref<80x32xf32, #tpu.memory_space<vmem>>, vector<16xf32>,
        %add3A_610 = arith.constant 16 : i32
        %add3A_611 = arith.addi %squeeze3A_601, %add3A_610 : i32
        %get3A_612 = arith.index_cast %add3A_603 : i32 to index
        %get3A_613 = arith.index_cast %add3A_611 : i32 to index
        %get3A_614 = tpu.vector_load %arg8[%get3A_612, %get3A_613] {strides = array<i32>} : memref<80x128xf32, #tpu.memory_space<vmem>>, vector<16xf32>,
        %swap3A_615 = arith.index_cast %add3A_603 : i32 to index
        %swap3A_616 = arith.constant 16 : index
        %swap3A_617 = tpu.vector_load %arg10[%swap3A_615, %swap3A_616] {strides = array<i32>} : memref<80x32xf32, #tpu.memory_space<vmem>>, vector<16xf32>,
        tpu.vector_store %arg10[%swap3A_615, %swap3A_616], %get3A_614 {strides = array<i32>} : memref<80x32xf32, #tpu.memory_space<vmem>>, vector<16xf32>,
        %slice3A_618 = vector.extract_strided_slice %mul3A_386 {offsets = [13], sizes = [1], strides = [1]} : vector<16xi32> to vector<1xi32>
        %squeeze3A_619 = vector.extract %slice3A_618[0] : i32 from vector<1xi32>
        %add3A_620 = arith.constant 13 : i32
        %add3A_621 = arith.addi %add3A_377, %add3A_620 : i32
        %get3A_622 = arith.index_cast %add3A_621 : i32 to index
        %get3A_623 = arith.index_cast %squeeze3A_619 : i32 to index
        %get3A_624 = tpu.vector_load %arg8[%get3A_622, %get3A_623] {strides = array<i32>} : memref<80x128xf32, #tpu.memory_space<vmem>>, vector<16xf32>,
        %swap3A_625 = arith.index_cast %add3A_621 : i32 to index
        %swap3A_626 = arith.constant 0 : index
        %swap3A_627 = tpu.vector_load %arg10[%swap3A_625, %swap3A_626] {strides = array<i32>} : memref<80x32xf32, #tpu.memory_space<vmem>>, vector<16xf32>,
        tpu.vector_store %arg10[%swap3A_625, %swap3A_626], %get3A_624 {strides = array<i32>} : memref<80x32xf32, #tpu.memory_space<vmem>>, vector<16xf32>,
        %add3A_628 = arith.constant 16 : i32
        %add3A_629 = arith.addi %squeeze3A_619, %add3A_628 : i32
        %get3A_630 = arith.index_cast %add3A_621 : i32 to index
        %get3A_631 = arith.index_cast %add3A_629 : i32 to index
        %get3A_632 = tpu.vector_load %arg8[%get3A_630, %get3A_631] {strides = array<i32>} : memref<80x128xf32, #tpu.memory_space<vmem>>, vector<16xf32>,
        %swap3A_633 = arith.index_cast %add3A_621 : i32 to index
        %swap3A_634 = arith.constant 16 : index
        %swap3A_635 = tpu.vector_load %arg10[%swap3A_633, %swap3A_634] {strides = array<i32>} : memref<80x32xf32, #tpu.memory_space<vmem>>, vector<16xf32>,
        tpu.vector_store %arg10[%swap3A_633, %swap3A_634], %get3A_632 {strides = array<i32>} : memref<80x32xf32, #tpu.memory_space<vmem>>, vector<16xf32>,
        %slice3A_636 = vector.extract_strided_slice %mul3A_386 {offsets = [14], sizes = [1], strides = [1]} : vector<16xi32> to vector<1xi32>
        %squeeze3A_637 = vector.extract %slice3A_636[0] : i32 from vector<1xi32>
        %add3A_638 = arith.constant 14 : i32
        %add3A_639 = arith.addi %add3A_377, %add3A_638 : i32
        %get3A_640 = arith.index_cast %add3A_639 : i32 to index
        %get3A_641 = arith.index_cast %squeeze3A_637 : i32 to index
        %get3A_642 = tpu.vector_load %arg8[%get3A_640, %get3A_641] {strides = array<i32>} : memref<80x128xf32, #tpu.memory_space<vmem>>, vector<16xf32>,
        %swap3A_643 = arith.index_cast %add3A_639 : i32 to index
        %swap3A_644 = arith.constant 0 : index
        %swap3A_645 = tpu.vector_load %arg10[%swap3A_643, %swap3A_644] {strides = array<i32>} : memref<80x32xf32, #tpu.memory_space<vmem>>, vector<16xf32>,
        tpu.vector_store %arg10[%swap3A_643, %swap3A_644], %get3A_642 {strides = array<i32>} : memref<80x32xf32, #tpu.memory_space<vmem>>, vector<16xf32>,
        %add3A_646 = arith.constant 16 : i32
        %add3A_647 = arith.addi %squeeze3A_637, %add3A_646 : i32
        %get3A_648 = arith.index_cast %add3A_639 : i32 to index
        %get3A_649 = arith.index_cast %add3A_647 : i32 to index
        %get3A_650 = tpu.vector_load %arg8[%get3A_648, %get3A_649] {strides = array<i32>} : memref<80x128xf32, #tpu.memory_space<vmem>>, vector<16xf32>,
        %swap3A_651 = arith.index_cast %add3A_639 : i32 to index
        %swap3A_652 = arith.constant 16 : index
        %swap3A_653 = tpu.vector_load %arg10[%swap3A_651, %swap3A_652] {strides = array<i32>} : memref<80x32xf32, #tpu.memory_space<vmem>>, vector<16xf32>,
        tpu.vector_store %arg10[%swap3A_651, %swap3A_652], %get3A_650 {strides = array<i32>} : memref<80x32xf32, #tpu.memory_space<vmem>>, vector<16xf32>,
        %slice3A_654 = vector.extract_strided_slice %mul3A_386 {offsets = [15], sizes = [1], strides = [1]} : vector<16xi32> to vector<1xi32>
        %squeeze3A_655 = vector.extract %slice3A_654[0] : i32 from vector<1xi32>
        %add3A_656 = arith.constant 15 : i32
        %add3A_657 = arith.addi %add3A_377, %add3A_656 : i32
        %get3A_658 = arith.index_cast %add3A_657 : i32 to index
        %get3A_659 = arith.index_cast %squeeze3A_655 : i32 to index
        %get3A_660 = tpu.vector_load %arg8[%get3A_658, %get3A_659] {strides = array<i32>} : memref<80x128xf32, #tpu.memory_space<vmem>>, vector<16xf32>,
        %swap3A_661 = arith.index_cast %add3A_657 : i32 to index
        %swap3A_662 = arith.constant 0 : index
        %swap3A_663 = tpu.vector_load %arg10[%swap3A_661, %swap3A_662] {strides = array<i32>} : memref<80x32xf32, #tpu.memory_space<vmem>>, vector<16xf32>,
        tpu.vector_store %arg10[%swap3A_661, %swap3A_662], %get3A_660 {strides = array<i32>} : memref<80x32xf32, #tpu.memory_space<vmem>>, vector<16xf32>,
        %add3A_664 = arith.constant 16 : i32
        %add3A_665 = arith.addi %squeeze3A_655, %add3A_664 : i32
        %get3A_666 = arith.index_cast %add3A_657 : i32 to index
        %get3A_667 = arith.index_cast %add3A_665 : i32 to index
        %get3A_668 = tpu.vector_load %arg8[%get3A_666, %get3A_667] {strides = array<i32>} : memref<80x128xf32, #tpu.memory_space<vmem>>, vector<16xf32>,
        %swap3A_669 = arith.index_cast %add3A_657 : i32 to index
        %swap3A_670 = arith.constant 16 : index
        %swap3A_671 = tpu.vector_load %arg10[%swap3A_669, %swap3A_670] {strides = array<i32>} : memref<80x32xf32, #tpu.memory_space<vmem>>, vector<16xf32>,
        tpu.vector_store %arg10[%swap3A_669, %swap3A_670], %get3A_668 {strides = array<i32>} : memref<80x32xf32, #tpu.memory_space<vmem>>, vector<16xf32>,
      }
      %scan3A_289 = arith.constant 5 : i32
      %mul3A_290 = arith.constant 4 : i32
      %mul3A_291 = arith.muli %add3A_273, %mul3A_290 : i32
      %add3A_292 = arith.addi %mul3A_4, %mul3A_291 : i32
      %add3A_293 = arith.constant 0 : i32
      %add3A_294 = arith.addi %add3A_292, %add3A_293 : i32
      %dma_start3A_295 = arith.constant 0 : i32
      %dma_start3A_296 = arith.constant 0 : i32
      %dma_start3A_297 = tpu.memref_slice %arg10[%dma_start3A_295, %dma_start3A_296] : memref<80x32xf32, #tpu.memory_space<vmem>> -> memref<20x32xf32, #tpu.memory_space<vmem>>
      %dma_start3A_298 = arith.constant 0 : i32
      %dma_start3A_299 = arith.constant 0 : i32
      %dma_start3A_300 = tpu.memref_slice %arg4[%add3A_294, %dma_start3A_298, %dma_start3A_299] : memref<16384x20x32xf32, #tpu.memory_space<hbm>> -> memref<1x20x32xf32, #tpu.memory_space<hbm>>
      %dma_start3A_301 = tpu.memref_squeeze %dma_start3A_300 : memref<1x20x32xf32, #tpu.memory_space<hbm>> -> memref<20x32xf32, #tpu.memory_space<hbm>>
      %dma_start3A_302 = arith.constant 0 : i32
      %dma_start3A_303 = arith.constant 0 : i32
      %dma_start3A_304 = tpu.memref_slice %arg4[%add3A_294, %dma_start3A_302, %dma_start3A_303] : memref<16384x20x32xf32, #tpu.memory_space<hbm>> -> memref<1x20x32xf32, #tpu.memory_space<hbm>>
      %dma_start3A_305 = tpu.memref_squeeze %dma_start3A_304 : memref<1x20x32xf32, #tpu.memory_space<hbm>> -> memref<20x32xf32, #tpu.memory_space<hbm>>
      %dma_start3A_306 = arith.constant 0 : i32
      %dma_start3A_307 = arith.constant 0 : i32
      %dma_start3A_308 = tpu.memref_slice %arg10[%dma_start3A_306, %dma_start3A_307] : memref<80x32xf32, #tpu.memory_space<vmem>> -> memref<20x32xf32, #tpu.memory_space<vmem>>
      tpu.enqueue_dma source(%dma_start3A_308 : memref<20x32xf32, #tpu.memory_space<vmem>>) target(%dma_start3A_305 : memref<20x32xf32, #tpu.memory_space<hbm>>) target_semaphore(%arg14 : memref<!tpu.dma_semaphore, #tpu.memory_space<semaphore_mem>>)
      %mul3A_309 = arith.constant 4 : i32
      %mul3A_310 = arith.muli %add3A_273, %mul3A_309 : i32
      %add3A_311 = arith.addi %mul3A_4, %mul3A_310 : i32
      %add3A_312 = arith.constant 1 : i32
      %add3A_313 = arith.addi %add3A_311, %add3A_312 : i32
      %dma_start3A_314 = arith.constant 20 : i32
      %dma_start3A_315 = arith.constant 0 : i32
      %dma_start3A_316 = tpu.memref_slice %arg10[%dma_start3A_314, %dma_start3A_315] : memref<80x32xf32, #tpu.memory_space<vmem>> -> memref<20x32xf32, #tpu.memory_space<vmem>>
      %dma_start3A_317 = arith.constant 0 : i32
      %dma_start3A_318 = arith.constant 0 : i32
      %dma_start3A_319 = tpu.memref_slice %arg4[%add3A_313, %dma_start3A_317, %dma_start3A_318] : memref<16384x20x32xf32, #tpu.memory_space<hbm>> -> memref<1x20x32xf32, #tpu.memory_space<hbm>>
      %dma_start3A_320 = tpu.memref_squeeze %dma_start3A_319 : memref<1x20x32xf32, #tpu.memory_space<hbm>> -> memref<20x32xf32, #tpu.memory_space<hbm>>
      %dma_start3A_321 = arith.constant 0 : i32
      %dma_start3A_322 = arith.constant 0 : i32
      %dma_start3A_323 = tpu.memref_slice %arg4[%add3A_313, %dma_start3A_321, %dma_start3A_322] : memref<16384x20x32xf32, #tpu.memory_space<hbm>> -> memref<1x20x32xf32, #tpu.memory_space<hbm>>
      %dma_start3A_324 = tpu.memref_squeeze %dma_start3A_323 : memref<1x20x32xf32, #tpu.memory_space<hbm>> -> memref<20x32xf32, #tpu.memory_space<hbm>>
      %dma_start3A_325 = arith.constant 20 : i32
      %dma_start3A_326 = arith.constant 0 : i32
      %dma_start3A_327 = tpu.memref_slice %arg10[%dma_start3A_325, %dma_start3A_326] : memref<80x32xf32, #tpu.memory_space<vmem>> -> memref<20x32xf32, #tpu.memory_space<vmem>>
      tpu.enqueue_dma source(%dma_start3A_327 : memref<20x32xf32, #tpu.memory_space<vmem>>) target(%dma_start3A_324 : memref<20x32xf32, #tpu.memory_space<hbm>>) target_semaphore(%arg14 : memref<!tpu.dma_semaphore, #tpu.memory_space<semaphore_mem>>)
      %mul3A_328 = arith.constant 4 : i32
      %mul3A_329 = arith.muli %add3A_273, %mul3A_328 : i32
      %add3A_330 = arith.addi %mul3A_4, %mul3A_329 : i32
      %add3A_331 = arith.constant 2 : i32
      %add3A_332 = arith.addi %add3A_330, %add3A_331 : i32
      %dma_start3A_333 = arith.constant 40 : i32
      %dma_start3A_334 = arith.constant 0 : i32
      %dma_start3A_335 = tpu.memref_slice %arg10[%dma_start3A_333, %dma_start3A_334] : memref<80x32xf32, #tpu.memory_space<vmem>> -> memref<20x32xf32, #tpu.memory_space<vmem>>
      %dma_start3A_336 = arith.constant 0 : i32
      %dma_start3A_337 = arith.constant 0 : i32
      %dma_start3A_338 = tpu.memref_slice %arg4[%add3A_332, %dma_start3A_336, %dma_start3A_337] : memref<16384x20x32xf32, #tpu.memory_space<hbm>> -> memref<1x20x32xf32, #tpu.memory_space<hbm>>
      %dma_start3A_339 = tpu.memref_squeeze %dma_start3A_338 : memref<1x20x32xf32, #tpu.memory_space<hbm>> -> memref<20x32xf32, #tpu.memory_space<hbm>>
      %dma_start3A_340 = arith.constant 0 : i32
      %dma_start3A_341 = arith.constant 0 : i32
      %dma_start3A_342 = tpu.memref_slice %arg4[%add3A_332, %dma_start3A_340, %dma_start3A_341] : memref<16384x20x32xf32, #tpu.memory_space<hbm>> -> memref<1x20x32xf32, #tpu.memory_space<hbm>>
      %dma_start3A_343 = tpu.memref_squeeze %dma_start3A_342 : memref<1x20x32xf32, #tpu.memory_space<hbm>> -> memref<20x32xf32, #tpu.memory_space<hbm>>
      %dma_start3A_344 = arith.constant 40 : i32
      %dma_start3A_345 = arith.constant 0 : i32
      %dma_start3A_346 = tpu.memref_slice %arg10[%dma_start3A_344, %dma_start3A_345] : memref<80x32xf32, #tpu.memory_space<vmem>> -> memref<20x32xf32, #tpu.memory_space<vmem>>
      tpu.enqueue_dma source(%dma_start3A_346 : memref<20x32xf32, #tpu.memory_space<vmem>>) target(%dma_start3A_343 : memref<20x32xf32, #tpu.memory_space<hbm>>) target_semaphore(%arg14 : memref<!tpu.dma_semaphore, #tpu.memory_space<semaphore_mem>>)
      %mul3A_347 = arith.constant 4 : i32
      %mul3A_348 = arith.muli %add3A_273, %mul3A_347 : i32
      %add3A_349 = arith.addi %mul3A_4, %mul3A_348 : i32
      %add3A_350 = arith.constant 3 : i32
      %add3A_351 = arith.addi %add3A_349, %add3A_350 : i32
      %dma_start3A_352 = arith.constant 60 : i32
      %dma_start3A_353 = arith.constant 0 : i32
      %dma_start3A_354 = tpu.memref_slice %arg10[%dma_start3A_352, %dma_start3A_353] : memref<80x32xf32, #tpu.memory_space<vmem>> -> memref<20x32xf32, #tpu.memory_space<vmem>>
      %dma_start3A_355 = arith.constant 0 : i32
      %dma_start3A_356 = arith.constant 0 : i32
      %dma_start3A_357 = tpu.memref_slice %arg4[%add3A_351, %dma_start3A_355, %dma_start3A_356] : memref<16384x20x32xf32, #tpu.memory_space<hbm>> -> memref<1x20x32xf32, #tpu.memory_space<hbm>>
      %dma_start3A_358 = tpu.memref_squeeze %dma_start3A_357 : memref<1x20x32xf32, #tpu.memory_space<hbm>> -> memref<20x32xf32, #tpu.memory_space<hbm>>
      %dma_start3A_359 = arith.constant 0 : i32
      %dma_start3A_360 = arith.constant 0 : i32
      %dma_start3A_361 = tpu.memref_slice %arg4[%add3A_351, %dma_start3A_359, %dma_start3A_360] : memref<16384x20x32xf32, #tpu.memory_space<hbm>> -> memref<1x20x32xf32, #tpu.memory_space<hbm>>
      %dma_start3A_362 = tpu.memref_squeeze %dma_start3A_361 : memref<1x20x32xf32, #tpu.memory_space<hbm>> -> memref<20x32xf32, #tpu.memory_space<hbm>>
      %dma_start3A_363 = arith.constant 60 : i32
      %dma_start3A_364 = arith.constant 0 : i32
      %dma_start3A_365 = tpu.memref_slice %arg10[%dma_start3A_363, %dma_start3A_364] : memref<80x32xf32, #tpu.memory_space<vmem>> -> memref<20x32xf32, #tpu.memory_space<vmem>>
      tpu.enqueue_dma source(%dma_start3A_365 : memref<20x32xf32, #tpu.memory_space<vmem>>) target(%dma_start3A_362 : memref<20x32xf32, #tpu.memory_space<hbm>>) target_semaphore(%arg14 : memref<!tpu.dma_semaphore, #tpu.memory_space<semaphore_mem>>)
      %add3A_366 = arith.constant 2 : i32
      %add3A_367 = arith.addi %add3A_273, %add3A_366 : i32
      %lt3A_368 = arith.constant 128 : i32
      %lt3A_369 = arith.cmpi slt, %add3A_367, %lt3A_368 : i32
      %convert_element_type3A_370 = arith.extui %lt3A_369 : i1 to i32
      %cond3A_371 = arith.constant 0 : i32
      %cond3A_372 = arith.cmpi ne, %convert_element_type3A_370, %cond3A_371 : i32
      scf.if %cond3A_372 {
        %add3A_373 = arith.constant 2 : i32
        %add3A_374 = arith.addi %add3A_273, %add3A_373 : i32
        %mul3A_375 = arith.constant 80 : i32
        %mul3A_376 = arith.muli %add3A_374, %mul3A_375 : i32
        %dma_start3A_377 = tpu.memref_slice %arg6[%mul3A_376] : memref<10240xi32, #tpu.memory_space<vmem>> -> memref<80xi32, #tpu.memory_space<vmem>>
        %dma_start3A_378 = arith.constant 0 : i32
        %dma_start3A_379 = arith.constant 0 : i32
        %dma_start3A_380 = tpu.memref_slice %arg2[%dma_start3A_378, %dma_start3A_379] : memref<250000x128xf32, #tpu.memory_space<hbm>> -> memref<250000x128xf32, #tpu.memory_space<hbm>>
        tpu.enqueue_indirect_dma source(%dma_start3A_380 : memref<250000x128xf32, #tpu.memory_space<hbm>>) target(%arg8 : memref<80x128xf32, #tpu.memory_space<vmem>>) offsets(%dma_start3A_377 : memref<80xi32, #tpu.memory_space<vmem>>) semaphore(%arg12 : memref<!tpu.dma_semaphore, #tpu.memory_space<semaphore_mem>>)
      } else {
      }
    }
    %scan3A_22 = arith.constant 64 : i32
    %add3A_23 = arith.constant 504 : i32
    %add3A_24 = arith.addi %mul3A_4, %add3A_23 : i32
    %add3A_25 = arith.constant 0 : i32
    %add3A_26 = arith.addi %add3A_24, %add3A_25 : i32
    %dma_wait3A = arith.constant 0 : i32
    %dma_wait3A_27 = arith.constant 0 : i32
    %dma_wait3A_28 = tpu.memref_slice %arg9[%dma_wait3A, %dma_wait3A_27] : memref<80x32xf32, #tpu.memory_space<vmem>> -> memref<20x32xf32, #tpu.memory_space<vmem>>
    %dma_wait3A_29 = arith.constant 0 : i32
    %dma_wait3A_30 = arith.constant 0 : i32
    %dma_wait3A_31 = tpu.memref_slice %arg4[%add3A_26, %dma_wait3A_29, %dma_wait3A_30] : memref<16384x20x32xf32, #tpu.memory_space<hbm>> -> memref<1x20x32xf32, #tpu.memory_space<hbm>>
    %dma_wait3A_32 = tpu.memref_squeeze %dma_wait3A_31 : memref<1x20x32xf32, #tpu.memory_space<hbm>> -> memref<20x32xf32, #tpu.memory_space<hbm>>
    %dma_wait3A_33 = arith.constant 0 : i32
    %dma_wait3A_34 = arith.constant 0 : i32
    %dma_wait3A_35 = tpu.memref_slice %arg4[%add3A_26, %dma_wait3A_33, %dma_wait3A_34] : memref<16384x20x32xf32, #tpu.memory_space<hbm>> -> memref<1x20x32xf32, #tpu.memory_space<hbm>>
    %dma_wait3A_36 = tpu.memref_squeeze %dma_wait3A_35 : memref<1x20x32xf32, #tpu.memory_space<hbm>> -> memref<20x32xf32, #tpu.memory_space<hbm>>
    %dma_wait3A_37 = arith.constant 0 : i32
    %dma_wait3A_38 = arith.constant 0 : i32
    %dma_wait3A_39 = tpu.memref_slice %arg9[%dma_wait3A_37, %dma_wait3A_38] : memref<80x32xf32, #tpu.memory_space<vmem>> -> memref<20x32xf32, #tpu.memory_space<vmem>>
    tpu.wait_dma2 semaphore(%arg13 : memref<!tpu.dma_semaphore, #tpu.memory_space<semaphore_mem>>) src(%dma_wait3A_39 : memref<20x32xf32, #tpu.memory_space<vmem>>) dst(%dma_wait3A_36 : memref<20x32xf32, #tpu.memory_space<hbm>>)
    %add3A_40 = arith.constant 504 : i32
    %add3A_41 = arith.addi %mul3A_4, %add3A_40 : i32
    %add3A_42 = arith.constant 1 : i32
    %add3A_43 = arith.addi %add3A_41, %add3A_42 : i32
    %dma_wait3A_44 = arith.constant 20 : i32
    %dma_wait3A_45 = arith.constant 0 : i32
    %dma_wait3A_46 = tpu.memref_slice %arg9[%dma_wait3A_44, %dma_wait3A_45] : memref<80x32xf32, #tpu.memory_space<vmem>> -> memref<20x32xf32, #tpu.memory_space<vmem>>
    %dma_wait3A_47 = arith.constant 0 : i32
    %dma_wait3A_48 = arith.constant 0 : i32
    %dma_wait3A_49 = tpu.memref_slice %arg4[%add3A_43, %dma_wait3A_47, %dma_wait3A_48] : memref<16384x20x32xf32, #tpu.memory_space<hbm>> -> memref<1x20x32xf32, #tpu.memory_space<hbm>>
    %dma_wait3A_50 = tpu.memref_squeeze %dma_wait3A_49 : memref<1x20x32xf32, #tpu.memory_space<hbm>> -> memref<20x32xf32, #tpu.memory_space<hbm>>
    %dma_wait3A_51 = arith.constant 0 : i32
    %dma_wait3A_52 = arith.constant 0 : i32
    %dma_wait3A_53 = tpu.memref_slice %arg4[%add3A_43, %dma_wait3A_51, %dma_wait3A_52] : memref<16384x20x32xf32, #tpu.memory_space<hbm>> -> memref<1x20x32xf32, #tpu.memory_space<hbm>>
    %dma_wait3A_54 = tpu.memref_squeeze %dma_wait3A_53 : memref<1x20x32xf32, #tpu.memory_space<hbm>> -> memref<20x32xf32, #tpu.memory_space<hbm>>
    %dma_wait3A_55 = arith.constant 20 : i32
    %dma_wait3A_56 = arith.constant 0 : i32
    %dma_wait3A_57 = tpu.memref_slice %arg9[%dma_wait3A_55, %dma_wait3A_56] : memref<80x32xf32, #tpu.memory_space<vmem>> -> memref<20x32xf32, #tpu.memory_space<vmem>>
    tpu.wait_dma2 semaphore(%arg13 : memref<!tpu.dma_semaphore, #tpu.memory_space<semaphore_mem>>) src(%dma_wait3A_57 : memref<20x32xf32, #tpu.memory_space<vmem>>) dst(%dma_wait3A_54 : memref<20x32xf32, #tpu.memory_space<hbm>>)
    %add3A_58 = arith.constant 504 : i32
    %add3A_59 = arith.addi %mul3A_4, %add3A_58 : i32
    %add3A_60 = arith.constant 2 : i32
    %add3A_61 = arith.addi %add3A_59, %add3A_60 : i32
    %dma_wait3A_62 = arith.constant 40 : i32
    %dma_wait3A_63 = arith.constant 0 : i32
    %dma_wait3A_64 = tpu.memref_slice %arg9[%dma_wait3A_62, %dma_wait3A_63] : memref<80x32xf32, #tpu.memory_space<vmem>> -> memref<20x32xf32, #tpu.memory_space<vmem>>
    %dma_wait3A_65 = arith.constant 0 : i32
    %dma_wait3A_66 = arith.constant 0 : i32
    %dma_wait3A_67 = tpu.memref_slice %arg4[%add3A_61, %dma_wait3A_65, %dma_wait3A_66] : memref<16384x20x32xf32, #tpu.memory_space<hbm>> -> memref<1x20x32xf32, #tpu.memory_space<hbm>>
    %dma_wait3A_68 = tpu.memref_squeeze %dma_wait3A_67 : memref<1x20x32xf32, #tpu.memory_space<hbm>> -> memref<20x32xf32, #tpu.memory_space<hbm>>
    %dma_wait3A_69 = arith.constant 0 : i32
    %dma_wait3A_70 = arith.constant 0 : i32
    %dma_wait3A_71 = tpu.memref_slice %arg4[%add3A_61, %dma_wait3A_69, %dma_wait3A_70] : memref<16384x20x32xf32, #tpu.memory_space<hbm>> -> memref<1x20x32xf32, #tpu.memory_space<hbm>>
    %dma_wait3A_72 = tpu.memref_squeeze %dma_wait3A_71 : memref<1x20x32xf32, #tpu.memory_space<hbm>> -> memref<20x32xf32, #tpu.memory_space<hbm>>
    %dma_wait3A_73 = arith.constant 40 : i32
    %dma_wait3A_74 = arith.constant 0 : i32
    %dma_wait3A_75 = tpu.memref_slice %arg9[%dma_wait3A_73, %dma_wait3A_74] : memref<80x32xf32, #tpu.memory_space<vmem>> -> memref<20x32xf32, #tpu.memory_space<vmem>>
    tpu.wait_dma2 semaphore(%arg13 : memref<!tpu.dma_semaphore, #tpu.memory_space<semaphore_mem>>) src(%dma_wait3A_75 : memref<20x32xf32, #tpu.memory_space<vmem>>) dst(%dma_wait3A_72 : memref<20x32xf32, #tpu.memory_space<hbm>>)
    %add3A_76 = arith.constant 504 : i32
    %add3A_77 = arith.addi %mul3A_4, %add3A_76 : i32
    %add3A_78 = arith.constant 3 : i32
    %add3A_79 = arith.addi %add3A_77, %add3A_78 : i32
    %dma_wait3A_80 = arith.constant 60 : i32
    %dma_wait3A_81 = arith.constant 0 : i32
    %dma_wait3A_82 = tpu.memref_slice %arg9[%dma_wait3A_80, %dma_wait3A_81] : memref<80x32xf32, #tpu.memory_space<vmem>> -> memref<20x32xf32, #tpu.memory_space<vmem>>
    %dma_wait3A_83 = arith.constant 0 : i32
    %dma_wait3A_84 = arith.constant 0 : i32
    %dma_wait3A_85 = tpu.memref_slice %arg4[%add3A_79, %dma_wait3A_83, %dma_wait3A_84] : memref<16384x20x32xf32, #tpu.memory_space<hbm>> -> memref<1x20x32xf32, #tpu.memory_space<hbm>>
    %dma_wait3A_86 = tpu.memref_squeeze %dma_wait3A_85 : memref<1x20x32xf32, #tpu.memory_space<hbm>> -> memref<20x32xf32, #tpu.memory_space<hbm>>
    %dma_wait3A_87 = arith.constant 0 : i32
    %dma_wait3A_88 = arith.constant 0 : i32
    %dma_wait3A_89 = tpu.memref_slice %arg4[%add3A_79, %dma_wait3A_87, %dma_wait3A_88] : memref<16384x20x32xf32, #tpu.memory_space<hbm>> -> memref<1x20x32xf32, #tpu.memory_space<hbm>>
    %dma_wait3A_90 = tpu.memref_squeeze %dma_wait3A_89 : memref<1x20x32xf32, #tpu.memory_space<hbm>> -> memref<20x32xf32, #tpu.memory_space<hbm>>
    %dma_wait3A_91 = arith.constant 60 : i32
    %dma_wait3A_92 = arith.constant 0 : i32
    %dma_wait3A_93 = tpu.memref_slice %arg9[%dma_wait3A_91, %dma_wait3A_92] : memref<80x32xf32, #tpu.memory_space<vmem>> -> memref<20x32xf32, #tpu.memory_space<vmem>>
    tpu.wait_dma2 semaphore(%arg13 : memref<!tpu.dma_semaphore, #tpu.memory_space<semaphore_mem>>) src(%dma_wait3A_93 : memref<20x32xf32, #tpu.memory_space<vmem>>) dst(%dma_wait3A_90 : memref<20x32xf32, #tpu.memory_space<hbm>>)
    %add3A_94 = arith.constant 508 : i32
    %add3A_95 = arith.addi %mul3A_4, %add3A_94 : i32
    %add3A_96 = arith.constant 0 : i32
    %add3A_97 = arith.addi %add3A_95, %add3A_96 : i32
    %dma_wait3A_98 = arith.constant 0 : i32
    %dma_wait3A_99 = arith.constant 0 : i32
    %dma_wait3A_100 = tpu.memref_slice %arg10[%dma_wait3A_98, %dma_wait3A_99] : memref<80x32xf32, #tpu.memory_space<vmem>> -> memref<20x32xf32, #tpu.memory_space<vmem>>
    %dma_wait3A_101 = arith.constant 0 : i32
    %dma_wait3A_102 = arith.constant 0 : i32
    %dma_wait3A_103 = tpu.memref_slice %arg4[%add3A_97, %dma_wait3A_101, %dma_wait3A_102] : memref<16384x20x32xf32, #tpu.memory_space<hbm>> -> memref<1x20x32xf32, #tpu.memory_space<hbm>>
    %dma_wait3A_104 = tpu.memref_squeeze %dma_wait3A_103 : memref<1x20x32xf32, #tpu.memory_space<hbm>> -> memref<20x32xf32, #tpu.memory_space<hbm>>
    %dma_wait3A_105 = arith.constant 0 : i32
    %dma_wait3A_106 = arith.constant 0 : i32
    %dma_wait3A_107 = tpu.memref_slice %arg4[%add3A_97, %dma_wait3A_105, %dma_wait3A_106] : memref<16384x20x32xf32, #tpu.memory_space<hbm>> -> memref<1x20x32xf32, #tpu.memory_space<hbm>>
    %dma_wait3A_108 = tpu.memref_squeeze %dma_wait3A_107 : memref<1x20x32xf32, #tpu.memory_space<hbm>> -> memref<20x32xf32, #tpu.memory_space<hbm>>
    %dma_wait3A_109 = arith.constant 0 : i32
    %dma_wait3A_110 = arith.constant 0 : i32
    %dma_wait3A_111 = tpu.memref_slice %arg10[%dma_wait3A_109, %dma_wait3A_110] : memref<80x32xf32, #tpu.memory_space<vmem>> -> memref<20x32xf32, #tpu.memory_space<vmem>>
    tpu.wait_dma2 semaphore(%arg14 : memref<!tpu.dma_semaphore, #tpu.memory_space<semaphore_mem>>) src(%dma_wait3A_111 : memref<20x32xf32, #tpu.memory_space<vmem>>) dst(%dma_wait3A_108 : memref<20x32xf32, #tpu.memory_space<hbm>>)
    %add3A_112 = arith.constant 508 : i32
    %add3A_113 = arith.addi %mul3A_4, %add3A_112 : i32
    %add3A_114 = arith.constant 1 : i32
    %add3A_115 = arith.addi %add3A_113, %add3A_114 : i32
    %dma_wait3A_116 = arith.constant 20 : i32
    %dma_wait3A_117 = arith.constant 0 : i32
    %dma_wait3A_118 = tpu.memref_slice %arg10[%dma_wait3A_116, %dma_wait3A_117] : memref<80x32xf32, #tpu.memory_space<vmem>> -> memref<20x32xf32, #tpu.memory_space<vmem>>
    %dma_wait3A_119 = arith.constant 0 : i32
    %dma_wait3A_120 = arith.constant 0 : i32
    %dma_wait3A_121 = tpu.memref_slice %arg4[%add3A_115, %dma_wait3A_119, %dma_wait3A_120] : memref<16384x20x32xf32, #tpu.memory_space<hbm>> -> memref<1x20x32xf32, #tpu.memory_space<hbm>>
    %dma_wait3A_122 = tpu.memref_squeeze %dma_wait3A_121 : memref<1x20x32xf32, #tpu.memory_space<hbm>> -> memref<20x32xf32, #tpu.memory_space<hbm>>
    %dma_wait3A_123 = arith.constant 0 : i32
    %dma_wait3A_124 = arith.constant 0 : i32
    %dma_wait3A_125 = tpu.memref_slice %arg4[%add3A_115, %dma_wait3A_123, %dma_wait3A_124] : memref<16384x20x32xf32, #tpu.memory_space<hbm>> -> memref<1x20x32xf32, #tpu.memory_space<hbm>>
    %dma_wait3A_126 = tpu.memref_squeeze %dma_wait3A_125 : memref<1x20x32xf32, #tpu.memory_space<hbm>> -> memref<20x32xf32, #tpu.memory_space<hbm>>
    %dma_wait3A_127 = arith.constant 20 : i32
    %dma_wait3A_128 = arith.constant 0 : i32
    %dma_wait3A_129 = tpu.memref_slice %arg10[%dma_wait3A_127, %dma_wait3A_128] : memref<80x32xf32, #tpu.memory_space<vmem>> -> memref<20x32xf32, #tpu.memory_space<vmem>>
    tpu.wait_dma2 semaphore(%arg14 : memref<!tpu.dma_semaphore, #tpu.memory_space<semaphore_mem>>) src(%dma_wait3A_129 : memref<20x32xf32, #tpu.memory_space<vmem>>) dst(%dma_wait3A_126 : memref<20x32xf32, #tpu.memory_space<hbm>>)
    %add3A_130 = arith.constant 508 : i32
    %add3A_131 = arith.addi %mul3A_4, %add3A_130 : i32
    %add3A_132 = arith.constant 2 : i32
    %add3A_133 = arith.addi %add3A_131, %add3A_132 : i32
    %dma_wait3A_134 = arith.constant 40 : i32
    %dma_wait3A_135 = arith.constant 0 : i32
    %dma_wait3A_136 = tpu.memref_slice %arg10[%dma_wait3A_134, %dma_wait3A_135] : memref<80x32xf32, #tpu.memory_space<vmem>> -> memref<20x32xf32, #tpu.memory_space<vmem>>
    %dma_wait3A_137 = arith.constant 0 : i32
    %dma_wait3A_138 = arith.constant 0 : i32
    %dma_wait3A_139 = tpu.memref_slice %arg4[%add3A_133, %dma_wait3A_137, %dma_wait3A_138] : memref<16384x20x32xf32, #tpu.memory_space<hbm>> -> memref<1x20x32xf32, #tpu.memory_space<hbm>>
    %dma_wait3A_140 = tpu.memref_squeeze %dma_wait3A_139 : memref<1x20x32xf32, #tpu.memory_space<hbm>> -> memref<20x32xf32, #tpu.memory_space<hbm>>
    %dma_wait3A_141 = arith.constant 0 : i32
    %dma_wait3A_142 = arith.constant 0 : i32
    %dma_wait3A_143 = tpu.memref_slice %arg4[%add3A_133, %dma_wait3A_141, %dma_wait3A_142] : memref<16384x20x32xf32, #tpu.memory_space<hbm>> -> memref<1x20x32xf32, #tpu.memory_space<hbm>>
    %dma_wait3A_144 = tpu.memref_squeeze %dma_wait3A_143 : memref<1x20x32xf32, #tpu.memory_space<hbm>> -> memref<20x32xf32, #tpu.memory_space<hbm>>
    %dma_wait3A_145 = arith.constant 40 : i32
    %dma_wait3A_146 = arith.constant 0 : i32
    %dma_wait3A_147 = tpu.memref_slice %arg10[%dma_wait3A_145, %dma_wait3A_146] : memref<80x32xf32, #tpu.memory_space<vmem>> -> memref<20x32xf32, #tpu.memory_space<vmem>>
    tpu.wait_dma2 semaphore(%arg14 : memref<!tpu.dma_semaphore, #tpu.memory_space<semaphore_mem>>) src(%dma_wait3A_147 : memref<20x32xf32, #tpu.memory_space<vmem>>) dst(%dma_wait3A_144 : memref<20x32xf32, #tpu.memory_space<hbm>>)
    %add3A_148 = arith.constant 508 : i32
    %add3A_149 = arith.addi %mul3A_4, %add3A_148 : i32
    %add3A_150 = arith.constant 3 : i32
    %add3A_151 = arith.addi %add3A_149, %add3A_150 : i32
    %dma_wait3A_152 = arith.constant 60 : i32
    %dma_wait3A_153 = arith.constant 0 : i32
    %dma_wait3A_154 = tpu.memref_slice %arg10[%dma_wait3A_152, %dma_wait3A_153] : memref<80x32xf32, #tpu.memory_space<vmem>> -> memref<20x32xf32, #tpu.memory_space<vmem>>
    %dma_wait3A_155 = arith.constant 0 : i32
    %dma_wait3A_156 = arith.constant 0 : i32
    %dma_wait3A_157 = tpu.memref_slice %arg4[%add3A_151, %dma_wait3A_155, %dma_wait3A_156] : memref<16384x20x32xf32, #tpu.memory_space<hbm>> -> memref<1x20x32xf32, #tpu.memory_space<hbm>>
    %dma_wait3A_158 = tpu.memref_squeeze %dma_wait3A_157 : memref<1x20x32xf32, #tpu.memory_space<hbm>> -> memref<20x32xf32, #tpu.memory_space<hbm>>
    %dma_wait3A_159 = arith.constant 0 : i32
    %dma_wait3A_160 = arith.constant 0 : i32
    %dma_wait3A_161 = tpu.memref_slice %arg4[%add3A_151, %dma_wait3A_159, %dma_wait3A_160] : memref<16384x20x32xf32, #tpu.memory_space<hbm>> -> memref<1x20x32xf32, #tpu.memory_space<hbm>>
    %dma_wait3A_162 = tpu.memref_squeeze %dma_wait3A_161 : memref<1x20x32xf32, #tpu.memory_space<hbm>> -> memref<20x32xf32, #tpu.memory_space<hbm>>
    %dma_wait3A_163 = arith.constant 60 : i32
    %dma_wait3A_164 = arith.constant 0 : i32
    %dma_wait3A_165 = tpu.memref_slice %arg10[%dma_wait3A_163, %dma_wait3A_164] : memref<80x32xf32, #tpu.memory_space<vmem>> -> memref<20x32xf32, #tpu.memory_space<vmem>>
    tpu.wait_dma2 semaphore(%arg14 : memref<!tpu.dma_semaphore, #tpu.memory_space<semaphore_mem>>) src(%dma_wait3A_165 : memref<20x32xf32, #tpu.memory_space<vmem>>) dst(%dma_wait3A_162 : memref<20x32xf32, #tpu.memory_space<hbm>>)
    return
  }
}

</mosaic_0001>

<sc_bundles>
// kernel: kernel.3.cloned.1.call-start
scs
__scs_entry_jumppad:
0x0: {  	(pc) =	sbr.rel $0x88, $3  }
0x1: {  	(tag) =	ssettag $0x0;
	lr =	simm.s32 $0x1  }
0x2: {  	[smem:$0x3F9F] =	sst lr;
	_ =	strace $0xD0000000  }
0x3: {  	_ = 	snop  }
0x4: {  	_ = 	snop  }
0x5: {  	_ = 	snop  }
0x6: {  	_ = 	snop  }
0x7: {  	_ = 	snop  }
__scs_overlays_trampoline_lowered:
0x8: {  	[smem:$0x3FAE] =	sst s0  }
0x9: {  	[smem:$0x3FAF] =	sst s1  }
0xa: {  	[smem:$0x3FB0] =	sst s2  }
0xb: {  	[smem:$0x3FB1] =	sst s3  }
0xc: {  	[smem:$0x3FB2] =	sst s4  }
0xd: {  	[smem:$0x3FB3] =	sst s5  }
0xe: {  	[smem:$0x3FB4] =	sst s6  }
0xf: {  	[smem:$0x3FB5] =	sst s7  }
0x10: {  	[smem:$0x3FB6] =	sst s8  }
0x11: {  	[smem:$0x3FB7] =	sst s9;
	s0 =	simm.s32 @!p0 $0x0  }
0x12: {  	s1 =	sld [smem:$0x3F9D];
	s0 =	simm.s32 @p0 $0x1  }
0x13: {  	[smem:$0x3FB8] =	sst s0;
	s0 =	simm.s32 @!p1 $0x0  }
0x14: {  	s2 =	sld [smem:$0x3F9C];
	s0 =	simm.s32 @p1 $0x1  }
0x15: {  	[smem:$0x3FB9] =	sst s0;
	s0 =	simm.s32 @!p2 $0x0  }
0x16: {  	s3 =	sld [smem:$0x3FDB];
	s0 =	simm.s32 @p2 $0x1  }
0x17: {  	s4 =	simm.s32 $0x1BF5;
	[smem:$0x3FBB] =	sst s0  }
0x18: {  	s0 =	sld [smem:$0x3F9E];
	_ =	swait.ge [sflag:s4], $0x0  }
0x19: {  	s7 =	sld [smem:$0x3F9F]  }
0x1a: {  	s8 =	sadd.s32 $0xFFFFE003, lr  }
0x1b: {  	s9 =	sadd.s32 $0xFFFFFEF7, lr;
	s5 =	simm.s32 $0xFFFFFFFF;
	p2 =	slt.u32 s8, $0xFFFFF086  }
0x1c: {  	p1 =	slt.u32 s9, $0xF7A;
	s5 =	simm.s32 @!p2 $0x0  }
0x1d: {  	s5 =	simm.s32 @p1 $0x1;
	p0 =	seq.s32 s7, s2  }
0x1e: {  	s7 =	smul.u32 @!p0 $0xF7A, s2;
	p2 =	seq.s32 @!p0 s5, $0x0  }
0x1f: {  	s9 =	smul.u32 $0xF7A, s1;
	s8 =	simm.s32 @!p0 $0x1BF5;
	p2 =	por !p2, p0  }
0x20: {  	[sflag:s8] =	ssyncset.s32 @!p0 $0xFFFFF086;
	s6 =	sadd.s32 @!p0 s3, s7;
	s7 =	simm.s32 @!p0 $0x108  }
0x21: {  	s3 =	sadd.s32 s3, s9;
	s6 =	sadd.s32 @!p0 $0x88, s6;
	s7 =	simm.s32 @p2 $0x1082  }
0x22: {  	[simem:s7], [sflag:s8] =	dma.local @!p0 [hbm:s6], $0xF7A  }
0x23: {  	s9 =	sor.u32 $0xD0000000, s2;
	s6 =	simm.s32 $0x108;
	_ =	swait.ge @!p0 [sflag:s8], $0x0  }
0x24: {  	s3 =	sadd.s32 $0x88, s3;
	s6 =	simm.s32 @!p1 $0x1082;
	[sflag:s4] =	ssyncset.s32 $0xFFFFF086  }
0x25: {  	[simem:s6], [sflag:s4] =	dma.local [hbm:s3], $0xF7A  }
0x26: {  	[smem:$0x3F9F] =	sst s1;
	(tag) =	ssettag s2;
	_ =	strace s9  }
0x27: {  	s1 =	sld [smem:$0x3FAF]  }
0x28: {  	s2 =	sld [smem:$0x3FB0]  }
0x29: {  	s4 =	sld [smem:$0x3FB2]  }
0x2a: {  	p0 =	seq.s32 s5, $0x0;
	s5 =	sld [smem:$0x3FB3]  }
0x2b: {  	s6 =	sld [smem:$0x3FB4]  }
0x2c: {  	s7 =	sld [smem:$0x3FB5]  }
0x2d: {  	s3 =	simm.s32 $0x108;
	s8 =	sld [smem:$0x3FB6]  }
0x2e: {  	s3 =	simm.s32 @!p0 $0x1082;
	s9 =	sld [smem:$0x3FB7]  }
0x2f: {  	lr =	sadd.s32 s0, s3;
	s0 =	sld [smem:$0x3FAE]  }
0x30: {  	s3 =	sld [smem:$0x3FB1]  }
0x31: {  	[smem:$0x3FBA] =	sst s10  }
0x32: {  	s10 =	sld [smem:$0x3FB8];
	_ =	sdelay $0x3  }
0x33: {  	p0 =	seq.s32 s10, $0x1;
	s10 =	sld [smem:$0x3FBA];
	_ =	sdelay $0x3  }
0x34: {  	[smem:$0x3FBA] =	sst s10  }
0x35: {  	s10 =	sld [smem:$0x3FB9];
	_ =	sdelay $0x3  }
0x36: {  	p1 =	seq.s32 s10, $0x1;
	s10 =	sld [smem:$0x3FBA];
	_ =	sdelay $0x3  }
0x37: {  	[smem:$0x3FBA] =	sst s10  }
0x38: {  	s10 =	sld [smem:$0x3FBB]  }
0x39: {  	_ = 	snop;
	(pc) =	sbr.ind lr, $3  }
0x3a: {  	_ = 	snop  }
0x3b: {  	_ = 	snop  }
0x3c: {  	p2 =	seq.s32 s10, $0x1;
	s10 =	sld [smem:$0x3FBA]  }
0x3d: {  	_ =	shalt  }
0x3e: {  	_ =	shalt  }
0x3f: {  	_ =	shalt  }
0x40: {  	_ =	shalt  }
0x41: {  	_ =	shalt  }
0x42: {  	_ =	shalt  }
0x43: {  	_ =	shalt  }
0x44: {  	_ =	shalt  }
0x45: {  	_ =	shalt  }
0x46: {  	_ =	shalt  }
0x47: {  	_ =	shalt  }
0x48: {  	_ =	shalt  }
0x49: {  	_ =	shalt  }
0x4a: {  	_ =	shalt  }
0x4b: {  	_ =	shalt  }
0x4c: {  	_ =	shalt  }
0x4d: {  	_ =	shalt  }
0x4e: {  	_ =	shalt  }
0x4f: {  	_ =	shalt  }
0x50: {  	_ =	shalt  }
0x51: {  	_ =	shalt  }
0x52: {  	_ =	shalt  }
0x53: {  	_ =	shalt  }
0x54: {  	_ =	shalt  }
0x55: {  	_ =	shalt  }
0x56: {  	_ =	shalt  }
0x57: {  	_ =	shalt  }
0x58: {  	_ =	shalt  }
0x59: {  	_ =	shalt  }
0x5a: {  	_ =	shalt  }
0x5b: {  	_ =	shalt  }
0x5c: {  	_ =	shalt  }
0x5d: {  	_ =	shalt  }
0x5e: {  	_ =	shalt  }
0x5f: {  	_ =	shalt  }
0x60: {  	_ =	shalt  }
0x61: {  	_ =	shalt  }
0x62: {  	_ =	shalt  }
0x63: {  	_ =	shalt  }
0x64: {  	_ =	shalt  }
0x65: {  	_ =	shalt  }
0x66: {  	_ =	shalt  }
0x67: {  	_ =	shalt  }
0x68: {  	_ =	shalt  }
0x69: {  	_ =	shalt  }
0x6a: {  	_ =	shalt  }
0x6b: {  	_ =	shalt  }
0x6c: {  	_ =	shalt  }
0x6d: {  	_ =	shalt  }
0x6e: {  	_ =	shalt  }
0x6f: {  	_ =	shalt  }
0x70: {  	_ =	shalt  }
0x71: {  	_ =	shalt  }
0x72: {  	_ =	shalt  }
0x73: {  	_ =	shalt  }
0x74: {  	_ =	shalt  }
0x75: {  	_ =	shalt  }
0x76: {  	_ =	shalt  }
0x77: {  	_ =	shalt  }
0x78: {  	_ =	shalt  }
0x79: {  	_ =	shalt  }
0x7a: {  	_ =	shalt  }
0x7b: {  	_ =	shalt  }
0x7c: {  	_ =	shalt  }
0x7d: {  	_ =	shalt  }
0x7e: {  	_ =	shalt  }
0x7f: {  	_ =	shalt  }
0x80: {  	_ =	shalt  }
0x81: {  	_ =	shalt  }
0x82: {  	_ =	shalt  }
0x83: {  	_ =	shalt  }
0x84: {  	_ =	shalt  }
0x85: {  	_ =	shalt  }
0x86: {  	_ =	shalt  }
0x87: {  	_ =	shalt  }
.Lfunc_end0:
.L_simem_size_0:
called_computation_lowered:
.L_overlay_start_0:
0x88: {  	s2 =	sld [smem:$0x3FD9]  }
0x89: {  	s3 =	sld [smem:$0x3FFE];
	_ =	sdelay $0x1  }
0x8a: {  	s1 =	srdreg.scid  }
0x8b: {  	s0 =	sand.u32 $0x1, s1  }
0x8c: {  	s17 =	sshll.u32 s0, $0xA;
	s2 =	sadd.s32 s3, s2  }
0x8d: {  	s2 =	sadd.s32 s2, s17  }
0x8e: {  	[smem:$0x3FC6] =	sst s2  }
0x8f: {  	_ = 	snop  }
0x90: {  	s2 =	sld [smem:$0x3FD0];
	(tm) =	ssettm $0x1  }
0x91: {  	s18 =	sld [smem:$0x3FFB];
	_ =	sdelay $0x3  }
0x92: {  	_ =	strace s18  }
0x93: {  	s3 =	sld [smem:$0x3FFC];
	_ =	sdelay $0x3  }
0x94: {  	_ =	strace s3  }
0x95: {  	s3 =	sld [smem:$0x3FFD];
	_ =	sdelay $0x3  }
0x96: {  	_ =	strace s3  }
0x97: {  	_ =	strace $0x8FFFFFFF  }
0x98: {  	s19 =	sld [smem:$0x3FDB];
	_ =	sdelay $0x1  }
0x99: {  	s4 =	simm.s32 $_scs_section_size  }
0x9a: {  	s5 =	simm.s32 $_size__tile_overlayer_lowered;
	s6 =	simm.s32 $_tile_overlayer_lowered  }
0x9b: {  	s22 =	simm.s32 $0x1BFF;
	s21 =	sshll.u32 s6, $0x1;
	s3 =	sadd.s32 s4, s19  }
0x9c: {  	s7 =	simm.s32 $0x0;
	s20 =	sshll.u32 s5, $0x1;
	s5 =	sadd.s32 s21, s3  }
0x9d: {  	[timem:s7], [sflag:s22] =	dma.local [hbm:s5], s20  }
0x9e: {  	_ =	swait.ge [sflag:s22], s20  }
0x9f: {  	s4 =	ssub.s32 $0x0, s20;
	[sflag:s22] =	ssyncset.done $0x0  }
0xa0: {  	[sflag:s22] =	ssyncadd.s32 s4;
	_ =	sdelay $0x1  }
0xa1: {  	s23 =	simm.s32 $0x1B8B  }
0xa2: {  	_ =	swait.ge [sflag:s23], $0x1  }
0xa3: {  	[sflag:s23] =	ssyncset.done $0x0  }
0xa4: {  	s25 =	simm.s32 $0x1B8E;
	s24 =	sld [smem:$0x3FFE];
	[sflag:s23] =	ssyncadd.s32 $0xFFFFFFFF  }
0xa5: {  	s26 =	simm.s32 $execute0_lowered;
	[smem:$0x3FD2] =	sst s25  }
0xa6: {  	s5 =	sshll.u32 s26, $0x1;
	_ =	strace $0x80000046;
	[dreg:$0x1] =	wrdreg $0xFFFFFFFF  }
0xa7: {  	s28 =	simm.s32 $_size_execute0_lowered;
	s3 =	sadd.s32 s3, s5;
	[dreg:$0x0] =	wrdreg $0x0  }
0xa8: {  	s5 =	sshll.u32 s28, $0x1;
	[dreg:$0x2] =	wrdreg s3  }
0xa9: {  	[dreg:$0x3] =	wrdreg s5  }
0xaa: {  	[dreg:$0x4] =	wrdreg $0xC0  }
0xab: {  	_ =	task [dreg:s7], $0x5FFFF  }
0xac: {  	[dreg:$0x1] =	wrdreg $0xFFFFFFFF  }
0xad: {  	[dreg:$0x0] =	wrdreg $0x60  }
0xae: {  	[dreg:$0x2] =	wrdreg s24  }
0xaf: {  	[dreg:$0x3] =	wrdreg s2  }
0xb0: {  	[dreg:$0x4] =	wrdreg $0x9  }
0xb1: {  	_ =	task.clear_ibuf [dreg:s7], $0x5FFFF;
	_ =	strace $0x90000046  }
0xb2: {  	s29 =	simm.s32 $0x9;
	_ =	strace $0x80000048  }
0xb3: {  	_ =	swait.ge [sflag:s29], $0x1  }
0xb4: {  	[sflag:s29] =	ssyncadd.s32 $0xFFFFFFFF  }
0xb5: {  	_ =	strace $0x90000048  }
0xb6: {  	_ =	sfence  }
0xb7: {  	s30 =	sld [smem:$0x0];
	_ =	sdelay $0x2  }
0xb8: {  	s31 =	sshll.u32 s1, $0xD;
	s1 =	sshrl.u32 s1, $0x2  }
0xb9: {  	s3 =	sand.u32 $0x4000, s31;
	s1 =	sadd.s32 s1, s30  }
0xba: {  	s0 =	sor.u32 s3, s0;
	s1 =	sshll.u32 s1, $0x11  }
0xbb: {  	s0 =	sor.u32 s1, s0  }
0xbc: {  	s0 =	sadd.s32 $0x8F2B, s0  }
0xbd: {  	[sflag:s0] =	ssyncadd.remote.s32 $0x1  }
0xbe: {  	_ =	sfence.sel $0xFFFF  }
0xbf: {  	[dreg:$0x0] =	wrdreg $0xFFFFFFFF;
	(pc) =	sbr.abs _section_cstart, $3  }
0xc0: {  	[dreg:$0x1] =	wrdreg $0xFFFFFFFF  }
0xc1: {  	_ =	task.clear_ibuf [dreg:s7], $0x2FFFF;
	_ =	strace $0x9FFFFFFF  }
0xc2: {  	(tm) =	ssettm $0x7FFFFFFF  }
0xc3: {  	_ =	shalt  }
tec
execute0_lowered:
.L_overlay_start_1:
0x0: {  	(tag) =	ssettag $0x1  }
0x1: {  	s0 =	rddreg [dreg:$0x0]  }
0x2: {  	s1 =	rddreg [dreg:$0x1]  }
0x3: {  	s3 =	srdreg.scid;
	s4 =	stileid.u32  }
0x4: {  	s2 =	simm.s32 $0x0;
	s10 =	simm.s32 $0x5;
	s14 =	simm.s32 $0x7800  }
0x5: {  	s15 =	simm.s32 $0x1;
	s16 =	simm.s32 $0xA000;
	s17 =	simm.s32 $0xAA00  }
0x6: {  	s18 =	simm.s32 $0xB400;
	s19 =	simm.s32 $0xBE00;
	s20 =	simm.s32 $0x2  }
0x7: {  	s21 =	simm.s32 $0xC800;
	s22 =	simm.s32 $0xD200;
	s23 =	simm.s32 $0xDC00  }
0x8: {  	s24 =	simm.s32 $0xE600;
	s3 =	sand.u32 $0x1, s3;
	s4 =	sshll.u32 s4, $0x1  }
0x9: {  	s25 =	simm.s32 $0x3;
	s26 =	simm.s32 $0x4;
	s6 =	sor.u32 s3, s4  }
0xa: {  	s28 =	simm.s32 $0x50;
	s29 =	simm.s32 $0x0;
	s8 =	smul.u32 $0x500, s6  }
.Ltmp0:
0xb: {  	[smem:$0x7FF] =	sst s2;
	s5 =	ssub.s32 $0x2, s3;
	(pc) =	sbr.rel .LBB2_1-.Ltmp0, $4  }
0xc: {  	_ =	strace $0x80000047;
	s3 =	sadd.s32 $0xF42A00, s0;
	s7 =	sshrl.u32 s5, $0x1  }
0xd: {  	s4 =	sadd.s32 $0x600, s0;
	s9 =	ssub.s32 s5, s7;
	s1 =	sadd.s32 s1, s8  }
0xe: {  	s5 =	sshll.u32 s6, $0x9;
	s31 =	smax.u32 s9, $0x1;
	[dreg:$0x3] =	wrdreg s1  }
0xf: {  	s7 =	sadd.s32 $0x780, s0;
	s8 =	sadd.s32 $0x900, s0;
	[dreg:$0x4] =	wrdreg s31  }
.LBB2_10:
0x10: {  	_ =	swait.ge [sflag:s25], $0xA00  }
0x11: {  	[sflag:s25] =	ssyncset.done $0x0  }
0x12: {  	[sflag:s25] =	ssyncadd.s32 $0xFFFFF600  }
0x13: {  	_ =	swait.ge [sflag:s25], $0xA00  }
0x14: {  	[sflag:s25] =	ssyncset.done $0x0  }
0x15: {  	[sflag:s25] =	ssyncadd.s32 $0xFFFFF600  }
0x16: {  	_ =	swait.ge [sflag:s25], $0xA00  }
0x17: {  	[sflag:s25] =	ssyncset.done $0x0  }
0x18: {  	[sflag:s25] =	ssyncadd.s32 $0xFFFFF600  }
0x19: {  	_ =	swait.ge [sflag:s25], $0xA00  }
0x1a: {  	[sflag:s25] =	ssyncset.done $0x0  }
0x1b: {  	[sflag:s25] =	ssyncadd.s32 $0xFFFFF600  }
0x1c: {  	_ =	swait.ge [sflag:s26], $0xA00  }
0x1d: {  	[sflag:s26] =	ssyncset.done $0x0  }
0x1e: {  	[sflag:s26] =	ssyncadd.s32 $0xFFFFF600  }
0x1f: {  	_ =	swait.ge [sflag:s26], $0xA00  }
0x20: {  	[sflag:s26] =	ssyncset.done $0x0  }
0x21: {  	[sflag:s26] =	ssyncadd.s32 $0xFFFFF600  }
0x22: {  	_ =	swait.ge [sflag:s26], $0xA00  }
0x23: {  	[sflag:s26] =	ssyncset.done $0x0  }
0x24: {  	[sflag:s26] =	ssyncadd.s32 $0xFFFFF600  }
0x25: {  	_ =	swait.ge [sflag:s26], $0xA00  }
0x26: {  	s29 =	sadd.s32 $0x1, s29;
	s0 =	rddreg [dreg:$0x4]  }
0x27: {  	p0 =	sne.s32 s29, s0  }
.Ltmp1:
0x28: {  	_ = 	snop;
	(pc) =	sbr.rel @!p0 .LBB2_11-.Ltmp1, $3  }
0x29: {  	_ =	sdelay $0x1  }
0x2a: {  	[sflag:s26] =	ssyncset.done $0x0  }
0x2b: {  	[sflag:s26] =	ssyncadd.s32 $0xFFFFF600  }
.LBB2_1:
0x2c: {  	s0 =	rddreg [dreg:$0x3]  }
0x2d: {  	[tilespmem:s2], [sflag:$0x5] =	stream.linear.gather [hbm4b:s0+s2], $0x2800, $0x38;
	[tilespmem:$0xF000] =	vst v63  }
0x2e: {  	_ =	swait.ge [sflag:s10], $0x2800  }
0x2f: {  	[sflag:s10] =	ssyncset.done $0x0  }
0x30: {  	s0 =	simm.s32 $0x0;
	[sflag:s10] =	ssyncadd.s32 $0xFFFFD800  }
0x31: {  	s1 =	simm.s32 $0x40;
	v0 =	vld [tilespmem:s0+$0x0]  }
.LBB2_2:
0x32: {  	p0 =	sne.s32 s1, $0x9FC0  }
.Ltmp2:
0x33: {  	_ = 	snop;
	(pc) =	sbr.rel @p0 .LBB2_2-.Ltmp2, $3  }
0x34: {  	_ =	sdelay $0x1  }
0x35: {  	s6 =	sshra.s32 s1, $0x2;
	s1 =	sadd.s32 $0x40, s1;
	v1 =	vshra.s32 v0, $0x2  }
0x36: {  	v0 =	vld [tilespmem:s6+$0x0];
	[tilespmem:s0+$0x2800] =	vst v1;
	s0 =	smov.u32 s6  }
0x37: {  	_ =	sdelay $0x3  }
0x38: {  	v0 =	vshra.s32 v0, $0x2  }
0x39: {  	s30 =	simm.s32 $0x50;
	s13 =	simm.s32 $0x2800;
	s1 =	simm.s32 $0x5000;
	[tilespmem:s0+$0x2800] =	vst v0  }
0x3a: {  	[tilespmem:s1], [sflag:$0x1] =	stream.indirect.gather [hbm4b:s3+s30], $0x80, s13, s30, $0xb8;
	[tilespmem:$0xF000] =	vst v63  }
0x3b: {  	s31 =	simm.s32 $0x2850;
	s6 =	simm.s32 $0x0;
	s0 =	simm.s32 $0x0  }
0x3c: {  	[tilespmem:s14], [sflag:$0x2] =	stream.indirect.gather [hbm4b:s3+s30], $0x80, s31, s30, $0xb8;
	[tilespmem:$0xF000] =	vst v63  }
.LBB2_4:
0x3d: {  	_ =	swait.ge [sflag:s15], $0x2800  }
0x3e: {  	p0 =	seq.s32 s0, $0x0;
	[sflag:s15] =	ssyncset.done $0x0  }
0x3f: {  	s1 =	simm.s32 @!p0 $0x3;
	[sflag:s15] =	ssyncadd.s32 $0xFFFFD800  }
0x40: {  	_ =	swait.ge @!p0 [sflag:s1], $0xA00  }
0x41: {  	[sflag:s1] =	ssyncset.done @!p0 $0x0  }
0x42: {  	[sflag:s1] =	ssyncadd.s32 @!p0 $0xFFFFF600  }
0x43: {  	_ =	swait.ge @!p0 [sflag:s1], $0xA00  }
0x44: {  	[sflag:s1] =	ssyncset.done @!p0 $0x0  }
0x45: {  	[sflag:s1] =	ssyncadd.s32 @!p0 $0xFFFFF600  }
0x46: {  	_ =	swait.ge @!p0 [sflag:s1], $0xA00  }
0x47: {  	[sflag:s1] =	ssyncset.done @!p0 $0x0  }
0x48: {  	[sflag:s1] =	ssyncadd.s32 @!p0 $0xFFFFF600  }
0x49: {  	_ =	swait.ge @!p0 [sflag:s1], $0xA00  }
0x4a: {  	[sflag:s1] =	ssyncset.done @!p0 $0x0  }
0x4b: {  	[sflag:s1] =	ssyncadd.s32 @!p0 $0xFFFFF600  }
0x4c: {  	v0 =	vld [tilespmem:s6+$0x0];
	_ =	sdelay $0x4  }
0x4d: {  	v0 =	vshll.u32 v0, $0x5  }
0x4e: {  	s12 =	simm.s32 $0x0;
	v0 =	vand.u32 $0x60, v0  }
0x4f: {  	v0 =	vadd.s32 s12, v0  }
0x50: {  	(v2sf) =	vpush v0, $0x0;
	_ =	sdelay $0xb  }
0x51: {  	(v2sf) =	vpush v0, $0x1;
	_ =	sdelay $0x2  }
0x52: {  	s9 =	spop (v2sf)  }
0x53: {  	v1 =	vld [tilespmem:s9+$0x5000];
	_ =	sdelay $0x4  }
0x54: {  	[tilespmem:s12+$0xA000] =	vst v1  }
0x55: {  	v1 =	vld [tilespmem:s9+$0x5010];
	_ =	sdelay $0x1  }
0x56: {  	(v2sf) =	vpush v0, $0x2;
	_ =	sdelay $0x2  }
0x57: {  	s11 =	spop (v2sf);
	[tilespmem:s12+$0xA010] =	vst v1  }
0x58: {  	v1 =	vld [tilespmem:s11+$0x5080];
	_ =	sdelay $0x4  }
0x59: {  	[tilespmem:s12+$0xA080] =	vst v1  }
0x5a: {  	v1 =	vld [tilespmem:s11+$0x5090];
	_ =	sdelay $0x1  }
0x5b: {  	(v2sf) =	vpush v0, $0x3;
	_ =	sdelay $0x2  }
0x5c: {  	s13 =	spop (v2sf);
	[tilespmem:s12+$0xA090] =	vst v1  }
0x5d: {  	v1 =	vld [tilespmem:s13+$0x5100];
	_ =	sdelay $0x4  }
0x5e: {  	[tilespmem:s12+$0xA100] =	vst v1  }
0x5f: {  	v1 =	vld [tilespmem:s13+$0x5110];
	_ =	sdelay $0x1  }
0x60: {  	(v2sf) =	vpush v0, $0x4;
	_ =	sdelay $0x2  }
0x61: {  	s9 =	spop (v2sf);
	[tilespmem:s12+$0xA110] =	vst v1  }
0x62: {  	v1 =	vld [tilespmem:s9+$0x5180];
	_ =	sdelay $0x4  }
0x63: {  	[tilespmem:s12+$0xA180] =	vst v1  }
0x64: {  	v1 =	vld [tilespmem:s9+$0x5190];
	_ =	sdelay $0x1  }
0x65: {  	(v2sf) =	vpush v0, $0x5;
	_ =	sdelay $0x2  }
0x66: {  	s11 =	spop (v2sf);
	[tilespmem:s12+$0xA190] =	vst v1  }
0x67: {  	v1 =	vld [tilespmem:s11+$0x5200];
	_ =	sdelay $0x4  }
0x68: {  	[tilespmem:s12+$0xA200] =	vst v1  }
0x69: {  	v1 =	vld [tilespmem:s11+$0x5210];
	_ =	sdelay $0x1  }
0x6a: {  	(v2sf) =	vpush v0, $0x6;
	_ =	sdelay $0x2  }
0x6b: {  	s13 =	spop (v2sf);
	[tilespmem:s12+$0xA210] =	vst v1  }
0x6c: {  	v1 =	vld [tilespmem:s13+$0x5280];
	_ =	sdelay $0x4  }
0x6d: {  	[tilespmem:s12+$0xA280] =	vst v1  }
0x6e: {  	v1 =	vld [tilespmem:s13+$0x5290];
	_ =	sdelay $0x1  }
0x6f: {  	(v2sf) =	vpush v0, $0x7;
	_ =	sdelay $0x2  }
0x70: {  	s9 =	spop (v2sf);
	[tilespmem:s12+$0xA290] =	vst v1  }
0x71: {  	v1 =	vld [tilespmem:s9+$0x5300];
	_ =	sdelay $0x4  }
0x72: {  	[tilespmem:s12+$0xA300] =	vst v1  }
0x73: {  	v1 =	vld [tilespmem:s9+$0x5310];
	_ =	sdelay $0x1  }
0x74: {  	(v2sf) =	vpush v0, $0x8;
	_ =	sdelay $0x2  }
0x75: {  	s11 =	spop (v2sf);
	[tilespmem:s12+$0xA310] =	vst v1  }
0x76: {  	v1 =	vld [tilespmem:s11+$0x5380];
	_ =	sdelay $0x4  }
0x77: {  	[tilespmem:s12+$0xA380] =	vst v1  }
0x78: {  	v1 =	vld [tilespmem:s11+$0x5390];
	_ =	sdelay $0x1  }
0x79: {  	(v2sf) =	vpush v0, $0x9;
	_ =	sdelay $0x2  }
0x7a: {  	s13 =	spop (v2sf);
	[tilespmem:s12+$0xA390] =	vst v1  }
0x7b: {  	v1 =	vld [tilespmem:s13+$0x5400];
	_ =	sdelay $0x4  }
0x7c: {  	[tilespmem:s12+$0xA400] =	vst v1  }
0x7d: {  	v1 =	vld [tilespmem:s13+$0x5410];
	_ =	sdelay $0x1  }
0x7e: {  	(v2sf) =	vpush v0, $0xA;
	_ =	sdelay $0x2  }
0x7f: {  	s9 =	spop (v2sf);
	[tilespmem:s12+$0xA410] =	vst v1  }
0x80: {  	v1 =	vld [tilespmem:s9+$0x5480];
	_ =	sdelay $0x4  }
0x81: {  	[tilespmem:s12+$0xA480] =	vst v1  }
0x82: {  	v1 =	vld [tilespmem:s9+$0x5490];
	_ =	sdelay $0x1  }
0x83: {  	(v2sf) =	vpush v0, $0xB;
	_ =	sdelay $0x2  }
0x84: {  	s11 =	spop (v2sf);
	[tilespmem:s12+$0xA490] =	vst v1  }
0x85: {  	v1 =	vld [tilespmem:s11+$0x5500];
	_ =	sdelay $0x4  }
0x86: {  	[tilespmem:s12+$0xA500] =	vst v1  }
0x87: {  	v1 =	vld [tilespmem:s11+$0x5510];
	_ =	sdelay $0x1  }
0x88: {  	(v2sf) =	vpush v0, $0xC;
	_ =	sdelay $0x2  }
0x89: {  	s13 =	spop (v2sf);
	[tilespmem:s12+$0xA510] =	vst v1  }
0x8a: {  	v1 =	vld [tilespmem:s13+$0x5580];
	_ =	sdelay $0x4  }
0x8b: {  	[tilespmem:s12+$0xA580] =	vst v1  }
0x8c: {  	v1 =	vld [tilespmem:s13+$0x5590];
	_ =	sdelay $0x1  }
0x8d: {  	(v2sf) =	vpush v0, $0xD;
	_ =	sdelay $0x2  }
0x8e: {  	s9 =	spop (v2sf);
	[tilespmem:s12+$0xA590] =	vst v1  }
0x8f: {  	v1 =	vld [tilespmem:s9+$0x5600];
	_ =	sdelay $0x4  }
0x90: {  	[tilespmem:s12+$0xA600] =	vst v1  }
0x91: {  	v1 =	vld [tilespmem:s9+$0x5610];
	_ =	sdelay $0x1  }
0x92: {  	(v2sf) =	vpush v0, $0xE;
	_ =	sdelay $0x2  }
0x93: {  	s11 =	spop (v2sf);
	[tilespmem:s12+$0xA610] =	vst v1  }
0x94: {  	v1 =	vld [tilespmem:s11+$0x5680];
	_ =	sdelay $0x4  }
0x95: {  	[tilespmem:s12+$0xA680] =	vst v1  }
0x96: {  	v1 =	vld [tilespmem:s11+$0x5690];
	_ =	sdelay $0x1  }
0x97: {  	(v2sf) =	vpush v0, $0xF;
	_ =	sdelay $0x2  }
0x98: {  	s13 =	spop (v2sf);
	[tilespmem:s12+$0xA690] =	vst v1  }
0x99: {  	v0 =	vld [tilespmem:s13+$0x5700];
	_ =	sdelay $0x4  }
0x9a: {  	[tilespmem:s12+$0xA700] =	vst v0  }
0x9b: {  	v0 =	vld [tilespmem:s13+$0x5710];
	_ =	sdelay $0x4  }
0x9c: {  	s31 =	spop (v2sf);
	[tilespmem:s12+$0xA710] =	vst v0  }
0x9d: {  	v0 =	vld [tilespmem:s31+$0x5780];
	_ =	sdelay $0x4  }
0x9e: {  	s1 =	smul.u32 $0x280, s0;
	[tilespmem:s12+$0xA780] =	vst v0  }
0x9f: {  	s11 =	sshll.u32 s0, $0x1;
	s13 =	simm.s32 $0x2000;
	v0 =	vld [tilespmem:s31+$0x5790];
	s31 =	smov.u32 s6  }
.LBB2_5:
0xa0: {  	_ =	sdelay $0x2  }
0xa1: {  	p1 =	sne.s32 s13, $0x8000  }
0xa2: {  	s31 =	sadd.s32 $0x10, s31;
	[tilespmem:s12+$0xA790] =	vst v0;
	s12 =	smov.u32 s13;
	s13 =	sadd.s32 $0x2000, s13  }
0xa3: {  	v0 =	vld [tilespmem:s31+$0x0];
	_ =	sdelay $0x4  }
0xa4: {  	v0 =	vshll.u32 v0, $0x5  }
0xa5: {  	s12 =	sshra.s32 s12, $0x2;
	v0 =	vand.u32 $0x60, v0  }
0xa6: {  	v0 =	vadd.s32 s12, v0  }
0xa7: {  	(v2sf) =	vpush v0, $0x0;
	_ =	sdelay $0xb  }
0xa8: {  	(v2sf) =	vpush v0, $0x1;
	_ =	sdelay $0x2  }
0xa9: {  	s9 =	spop (v2sf)  }
0xaa: {  	v1 =	vld [tilespmem:s9+$0x5000];
	_ =	sdelay $0x4  }
0xab: {  	[tilespmem:s12+$0xA000] =	vst v1  }
0xac: {  	v1 =	vld [tilespmem:s9+$0x5010];
	_ =	sdelay $0x1  }
0xad: {  	(v2sf) =	vpush v0, $0x2;
	_ =	sdelay $0x2  }
0xae: {  	[tilespmem:s12+$0xA010] =	vst v1;
	s9 =	spop (v2sf)  }
0xaf: {  	v1 =	vld [tilespmem:s9+$0x5080];
	_ =	sdelay $0x4  }
0xb0: {  	[tilespmem:s12+$0xA080] =	vst v1  }
0xb1: {  	v1 =	vld [tilespmem:s9+$0x5090];
	_ =	sdelay $0x1  }
0xb2: {  	(v2sf) =	vpush v0, $0x3;
	_ =	sdelay $0x2  }
0xb3: {  	[tilespmem:s12+$0xA090] =	vst v1;
	s9 =	spop (v2sf)  }
0xb4: {  	v1 =	vld [tilespmem:s9+$0x5100];
	_ =	sdelay $0x4  }
0xb5: {  	[tilespmem:s12+$0xA100] =	vst v1  }
0xb6: {  	v1 =	vld [tilespmem:s9+$0x5110];
	_ =	sdelay $0x1  }
0xb7: {  	(v2sf) =	vpush v0, $0x4;
	_ =	sdelay $0x2  }
0xb8: {  	[tilespmem:s12+$0xA110] =	vst v1;
	s9 =	spop (v2sf)  }
0xb9: {  	v1 =	vld [tilespmem:s9+$0x5180];
	_ =	sdelay $0x4  }
0xba: {  	[tilespmem:s12+$0xA180] =	vst v1  }
0xbb: {  	v1 =	vld [tilespmem:s9+$0x5190];
	_ =	sdelay $0x1  }
0xbc: {  	(v2sf) =	vpush v0, $0x5;
	_ =	sdelay $0x2  }
0xbd: {  	[tilespmem:s12+$0xA190] =	vst v1;
	s9 =	spop (v2sf)  }
0xbe: {  	v1 =	vld [tilespmem:s9+$0x5200];
	_ =	sdelay $0x4  }
0xbf: {  	[tilespmem:s12+$0xA200] =	vst v1  }
0xc0: {  	v1 =	vld [tilespmem:s9+$0x5210];
	_ =	sdelay $0x1  }
0xc1: {  	(v2sf) =	vpush v0, $0x6;
	_ =	sdelay $0x2  }
0xc2: {  	[tilespmem:s12+$0xA210] =	vst v1;
	s9 =	spop (v2sf)  }
0xc3: {  	v1 =	vld [tilespmem:s9+$0x5280];
	_ =	sdelay $0x4  }
0xc4: {  	[tilespmem:s12+$0xA280] =	vst v1  }
0xc5: {  	v1 =	vld [tilespmem:s9+$0x5290];
	_ =	sdelay $0x1  }
0xc6: {  	(v2sf) =	vpush v0, $0x7;
	_ =	sdelay $0x2  }
0xc7: {  	[tilespmem:s12+$0xA290] =	vst v1;
	s9 =	spop (v2sf)  }
0xc8: {  	v1 =	vld [tilespmem:s9+$0x5300];
	_ =	sdelay $0x4  }
0xc9: {  	[tilespmem:s12+$0xA300] =	vst v1  }
0xca: {  	v1 =	vld [tilespmem:s9+$0x5310];
	_ =	sdelay $0x1  }
0xcb: {  	(v2sf) =	vpush v0, $0x8;
	_ =	sdelay $0x2  }
0xcc: {  	[tilespmem:s12+$0xA310] =	vst v1;
	s9 =	spop (v2sf)  }
0xcd: {  	v1 =	vld [tilespmem:s9+$0x5380];
	_ =	sdelay $0x4  }
0xce: {  	[tilespmem:s12+$0xA380] =	vst v1  }
0xcf: {  	v1 =	vld [tilespmem:s9+$0x5390];
	_ =	sdelay $0x1  }
0xd0: {  	(v2sf) =	vpush v0, $0x9;
	_ =	sdelay $0x2  }
0xd1: {  	[tilespmem:s12+$0xA390] =	vst v1;
	s9 =	spop (v2sf)  }
0xd2: {  	v1 =	vld [tilespmem:s9+$0x5400];
	_ =	sdelay $0x4  }
0xd3: {  	[tilespmem:s12+$0xA400] =	vst v1  }
0xd4: {  	v1 =	vld [tilespmem:s9+$0x5410];
	_ =	sdelay $0x1  }
0xd5: {  	(v2sf) =	vpush v0, $0xA;
	_ =	sdelay $0x2  }
0xd6: {  	[tilespmem:s12+$0xA410] =	vst v1;
	s9 =	spop (v2sf)  }
0xd7: {  	v1 =	vld [tilespmem:s9+$0x5480];
	_ =	sdelay $0x4  }
0xd8: {  	[tilespmem:s12+$0xA480] =	vst v1  }
0xd9: {  	v1 =	vld [tilespmem:s9+$0x5490];
	_ =	sdelay $0x1  }
0xda: {  	(v2sf) =	vpush v0, $0xB;
	_ =	sdelay $0x2  }
0xdb: {  	[tilespmem:s12+$0xA490] =	vst v1;
	s9 =	spop (v2sf)  }
0xdc: {  	v1 =	vld [tilespmem:s9+$0x5500];
	_ =	sdelay $0x4  }
0xdd: {  	[tilespmem:s12+$0xA500] =	vst v1  }
0xde: {  	v1 =	vld [tilespmem:s9+$0x5510];
	_ =	sdelay $0x1  }
0xdf: {  	(v2sf) =	vpush v0, $0xC;
	_ =	sdelay $0x2  }
0xe0: {  	[tilespmem:s12+$0xA510] =	vst v1;
	s9 =	spop (v2sf)  }
0xe1: {  	v1 =	vld [tilespmem:s9+$0x5580];
	_ =	sdelay $0x4  }
0xe2: {  	[tilespmem:s12+$0xA580] =	vst v1  }
0xe3: {  	v1 =	vld [tilespmem:s9+$0x5590];
	_ =	sdelay $0x1  }
0xe4: {  	(v2sf) =	vpush v0, $0xD;
	_ =	sdelay $0x2  }
0xe5: {  	[tilespmem:s12+$0xA590] =	vst v1;
	s9 =	spop (v2sf)  }
0xe6: {  	v1 =	vld [tilespmem:s9+$0x5600];
	_ =	sdelay $0x4  }
0xe7: {  	[tilespmem:s12+$0xA600] =	vst v1  }
0xe8: {  	v1 =	vld [tilespmem:s9+$0x5610];
	_ =	sdelay $0x1  }
0xe9: {  	(v2sf) =	vpush v0, $0xE;
	_ =	sdelay $0x2  }
0xea: {  	[tilespmem:s12+$0xA610] =	vst v1;
	s9 =	spop (v2sf)  }
0xeb: {  	v1 =	vld [tilespmem:s9+$0x5680];
	_ =	sdelay $0x4  }
0xec: {  	[tilespmem:s12+$0xA680] =	vst v1  }
0xed: {  	v1 =	vld [tilespmem:s9+$0x5690];
	_ =	sdelay $0x1  }
0xee: {  	(v2sf) =	vpush v0, $0xF;
	_ =	sdelay $0x2  }
0xef: {  	[tilespmem:s12+$0xA690] =	vst v1;
	s9 =	spop (v2sf)  }
0xf0: {  	v0 =	vld [tilespmem:s9+$0x5700];
	_ =	sdelay $0x4  }
0xf1: {  	[tilespmem:s12+$0xA700] =	vst v0  }
0xf2: {  	v0 =	vld [tilespmem:s9+$0x5710];
	_ =	sdelay $0x4  }
0xf3: {  	[tilespmem:s12+$0xA710] =	vst v0;
	s9 =	spop (v2sf)  }
0xf4: {  	v0 =	vld [tilespmem:s9+$0x5780];
	_ =	sdelay $0x1  }
.Ltmp3:
0xf5: {  	(pc) =	sbr.rel @p1 .LBB2_5-.Ltmp3, $3  }
0xf6: {  	_ =	sdelay $0x1  }
0xf7: {  	[tilespmem:s12+$0xA780] =	vst v0  }
0xf8: {  	v0 =	vld [tilespmem:s9+$0x5790]  }
0xf9: {  	s9 =	sshll.u32 s0, $0x3  }
0xfa: {  	s9 =	sadd.s32 s5, s9  }
0xfb: {  	s13 =	smul.u32 $0x180, s9;
	_ =	sdelay $0x1  }
0xfc: {  	s9 =	smul.u32 $0xC00, s9;
	[tilespmem:s12+$0xA790] =	vst v0;
	s12 =	sadd.s32 s4, s13  }
0xfd: {  	[hbm4b:s12+s2] =	stream.linear.scatter [tilespmem:s16], [sflag:$0x3], $0xA00, $0x38;
	[tilespmem:$0xF000] =	vst v63  }
0xfe: {  	s9 =	sshrl.u32 s9, $0x3;
	s12 =	sadd.s32 s13, s7  }
0xff: {  	[hbm4b:s12+s2] =	stream.linear.scatter [tilespmem:s17], [sflag:$0x3], $0xA00, $0x38;
	[tilespmem:$0xF000] =	vst v63  }
0x100: {  	s13 =	sadd.s32 s13, s8;
	s9 =	sadd.s32 s4, s9  }
0x101: {  	[hbm4b:s13+s2] =	stream.linear.scatter [tilespmem:s18], [sflag:$0x3], $0xA00, $0x38;
	[tilespmem:$0xF000] =	vst v63  }
0x102: {  	p1 =	seq.s32 s0, $0x3F;
	s9 =	sadd.s32 $0x480, s9  }
0x103: {  	[hbm4b:s9+s2] =	stream.linear.scatter [tilespmem:s19], [sflag:$0x3], $0xA00, $0x38;
	[tilespmem:$0xF000] =	vst v63  }
0x104: {  	s9 =	sshra.s32 @!p1 s1, $0x2  }
0x105: {  	s12 =	simm.s32 @!p1 $0x50;
	s13 =	simm.s32 @!p1 $0x5000;
	s9 =	sadd.s32 @!p1 $0x28A0, s9  }
0x106: {  	[tilespmem:s13], [sflag:$0x1] =	stream.indirect.gather @!p1 [hbm4b:s3+s12], $0x80, s9, s12, $0xb8;
	[tilespmem:$0xF000] =	vst v63  }
0x107: {  	_ =	swait.ge [sflag:s20], $0x2800  }
0x108: {  	[sflag:s20] =	ssyncset.done $0x0  }
0x109: {  	s9 =	simm.s32 @!p0 $0x4;
	[sflag:s20] =	ssyncadd.s32 $0xFFFFD800  }
0x10a: {  	_ =	swait.ge @!p0 [sflag:s9], $0xA00  }
0x10b: {  	[sflag:s9] =	ssyncset.done @!p0 $0x0  }
0x10c: {  	[sflag:s9] =	ssyncadd.s32 @!p0 $0xFFFFF600  }
0x10d: {  	_ =	swait.ge @!p0 [sflag:s9], $0xA00  }
0x10e: {  	[sflag:s9] =	ssyncset.done @!p0 $0x0  }
0x10f: {  	[sflag:s9] =	ssyncadd.s32 @!p0 $0xFFFFF600  }
0x110: {  	_ =	swait.ge @!p0 [sflag:s9], $0xA00  }
0x111: {  	[sflag:s9] =	ssyncset.done @!p0 $0x0  }
0x112: {  	[sflag:s9] =	ssyncadd.s32 @!p0 $0xFFFFF600  }
0x113: {  	_ =	swait.ge @!p0 [sflag:s9], $0xA00  }
0x114: {  	[sflag:s9] =	ssyncset.done @!p0 $0x0  }
0x115: {  	[sflag:s9] =	ssyncadd.s32 @!p0 $0xFFFFF600  }
0x116: {  	v0 =	vld [tilespmem:s30+$0x0];
	_ =	sdelay $0x4  }
0x117: {  	v0 =	vshll.u32 v0, $0x5  }
0x118: {  	s12 =	simm.s32 $0x0;
	v0 =	vand.u32 $0x60, v0  }
0x119: {  	v0 =	vadd.s32 s12, v0  }
0x11a: {  	(v2sf) =	vpush v0, $0x0;
	_ =	sdelay $0xb  }
0x11b: {  	(v2sf) =	vpush v0, $0x1;
	_ =	sdelay $0x2  }
0x11c: {  	s13 =	spop (v2sf)  }
0x11d: {  	v1 =	vld [tilespmem:s13+$0x7800];
	_ =	sdelay $0x4  }
0x11e: {  	[tilespmem:s12+$0xC800] =	vst v1  }
0x11f: {  	v1 =	vld [tilespmem:s13+$0x7810];
	_ =	sdelay $0x1  }
0x120: {  	(v2sf) =	vpush v0, $0x2;
	_ =	sdelay $0x2  }
0x121: {  	s13 =	spop (v2sf);
	[tilespmem:s12+$0xC810] =	vst v1  }
0x122: {  	v1 =	vld [tilespmem:s13+$0x7880];
	_ =	sdelay $0x4  }
0x123: {  	[tilespmem:s12+$0xC880] =	vst v1  }
0x124: {  	v1 =	vld [tilespmem:s13+$0x7890];
	_ =	sdelay $0x1  }
0x125: {  	(v2sf) =	vpush v0, $0x3;
	_ =	sdelay $0x2  }
0x126: {  	s13 =	spop (v2sf);
	[tilespmem:s12+$0xC890] =	vst v1  }
0x127: {  	v1 =	vld [tilespmem:s13+$0x7900];
	_ =	sdelay $0x4  }
0x128: {  	[tilespmem:s12+$0xC900] =	vst v1  }
0x129: {  	v1 =	vld [tilespmem:s13+$0x7910];
	_ =	sdelay $0x1  }
0x12a: {  	(v2sf) =	vpush v0, $0x4;
	_ =	sdelay $0x2  }
0x12b: {  	s13 =	spop (v2sf);
	[tilespmem:s12+$0xC910] =	vst v1  }
0x12c: {  	v1 =	vld [tilespmem:s13+$0x7980];
	_ =	sdelay $0x4  }
0x12d: {  	[tilespmem:s12+$0xC980] =	vst v1  }
0x12e: {  	v1 =	vld [tilespmem:s13+$0x7990];
	_ =	sdelay $0x1  }
0x12f: {  	(v2sf) =	vpush v0, $0x5;
	_ =	sdelay $0x2  }
0x130: {  	s13 =	spop (v2sf);
	[tilespmem:s12+$0xC990] =	vst v1  }
0x131: {  	v1 =	vld [tilespmem:s13+$0x7A00];
	_ =	sdelay $0x4  }
0x132: {  	[tilespmem:s12+$0xCA00] =	vst v1  }
0x133: {  	v1 =	vld [tilespmem:s13+$0x7A10];
	_ =	sdelay $0x1  }
0x134: {  	(v2sf) =	vpush v0, $0x6;
	_ =	sdelay $0x2  }
0x135: {  	s13 =	spop (v2sf);
	[tilespmem:s12+$0xCA10] =	vst v1  }
0x136: {  	v1 =	vld [tilespmem:s13+$0x7A80];
	_ =	sdelay $0x4  }
0x137: {  	[tilespmem:s12+$0xCA80] =	vst v1  }
0x138: {  	v1 =	vld [tilespmem:s13+$0x7A90];
	_ =	sdelay $0x1  }
0x139: {  	(v2sf) =	vpush v0, $0x7;
	_ =	sdelay $0x2  }
0x13a: {  	s13 =	spop (v2sf);
	[tilespmem:s12+$0xCA90] =	vst v1  }
0x13b: {  	v1 =	vld [tilespmem:s13+$0x7B00];
	_ =	sdelay $0x4  }
0x13c: {  	[tilespmem:s12+$0xCB00] =	vst v1  }
0x13d: {  	v1 =	vld [tilespmem:s13+$0x7B10];
	_ =	sdelay $0x1  }
0x13e: {  	(v2sf) =	vpush v0, $0x8;
	_ =	sdelay $0x2  }
0x13f: {  	s13 =	spop (v2sf);
	[tilespmem:s12+$0xCB10] =	vst v1  }
0x140: {  	v1 =	vld [tilespmem:s13+$0x7B80];
	_ =	sdelay $0x4  }
0x141: {  	[tilespmem:s12+$0xCB80] =	vst v1  }
0x142: {  	v1 =	vld [tilespmem:s13+$0x7B90];
	_ =	sdelay $0x1  }
0x143: {  	(v2sf) =	vpush v0, $0x9;
	_ =	sdelay $0x2  }
0x144: {  	s13 =	spop (v2sf);
	[tilespmem:s12+$0xCB90] =	vst v1  }
0x145: {  	v1 =	vld [tilespmem:s13+$0x7C00];
	_ =	sdelay $0x4  }
0x146: {  	[tilespmem:s12+$0xCC00] =	vst v1  }
0x147: {  	v1 =	vld [tilespmem:s13+$0x7C10];
	_ =	sdelay $0x1  }
0x148: {  	(v2sf) =	vpush v0, $0xA;
	_ =	sdelay $0x2  }
0x149: {  	s13 =	spop (v2sf);
	[tilespmem:s12+$0xCC10] =	vst v1  }
0x14a: {  	v1 =	vld [tilespmem:s13+$0x7C80];
	_ =	sdelay $0x4  }
0x14b: {  	[tilespmem:s12+$0xCC80] =	vst v1  }
0x14c: {  	v1 =	vld [tilespmem:s13+$0x7C90];
	_ =	sdelay $0x1  }
0x14d: {  	(v2sf) =	vpush v0, $0xB;
	_ =	sdelay $0x2  }
0x14e: {  	s13 =	spop (v2sf);
	[tilespmem:s12+$0xCC90] =	vst v1  }
0x14f: {  	v1 =	vld [tilespmem:s13+$0x7D00];
	_ =	sdelay $0x4  }
0x150: {  	[tilespmem:s12+$0xCD00] =	vst v1  }
0x151: {  	v1 =	vld [tilespmem:s13+$0x7D10];
	_ =	sdelay $0x1  }
0x152: {  	(v2sf) =	vpush v0, $0xC;
	_ =	sdelay $0x2  }
0x153: {  	s13 =	spop (v2sf);
	[tilespmem:s12+$0xCD10] =	vst v1  }
0x154: {  	v1 =	vld [tilespmem:s13+$0x7D80];
	_ =	sdelay $0x4  }
0x155: {  	[tilespmem:s12+$0xCD80] =	vst v1  }
0x156: {  	v1 =	vld [tilespmem:s13+$0x7D90];
	_ =	sdelay $0x1  }
0x157: {  	(v2sf) =	vpush v0, $0xD;
	_ =	sdelay $0x2  }
0x158: {  	s13 =	spop (v2sf);
	[tilespmem:s12+$0xCD90] =	vst v1  }
0x159: {  	v1 =	vld [tilespmem:s13+$0x7E00];
	_ =	sdelay $0x4  }
0x15a: {  	[tilespmem:s12+$0xCE00] =	vst v1  }
0x15b: {  	v1 =	vld [tilespmem:s13+$0x7E10];
	_ =	sdelay $0x1  }
0x15c: {  	(v2sf) =	vpush v0, $0xE;
	_ =	sdelay $0x2  }
0x15d: {  	s13 =	spop (v2sf);
	[tilespmem:s12+$0xCE10] =	vst v1  }
0x15e: {  	v1 =	vld [tilespmem:s13+$0x7E80];
	_ =	sdelay $0x4  }
0x15f: {  	[tilespmem:s12+$0xCE80] =	vst v1  }
0x160: {  	v1 =	vld [tilespmem:s13+$0x7E90];
	_ =	sdelay $0x1  }
0x161: {  	(v2sf) =	vpush v0, $0xF;
	_ =	sdelay $0x2  }
0x162: {  	s13 =	spop (v2sf);
	[tilespmem:s12+$0xCE90] =	vst v1  }
0x163: {  	v0 =	vld [tilespmem:s13+$0x7F00];
	_ =	sdelay $0x4  }
0x164: {  	[tilespmem:s12+$0xCF00] =	vst v0  }
0x165: {  	v0 =	vld [tilespmem:s13+$0x7F10];
	_ =	sdelay $0x4  }
0x166: {  	s9 =	spop (v2sf);
	[tilespmem:s12+$0xCF10] =	vst v0  }
0x167: {  	v0 =	vld [tilespmem:s9+$0x7F80];
	_ =	sdelay $0x4  }
0x168: {  	[tilespmem:s12+$0xCF80] =	vst v0  }
0x169: {  	s11 =	sor.u32 $0x1, s11;
	s31 =	smov.u32 s30;
	s13 =	simm.s32 $0x2000;
	v0 =	vld [tilespmem:s9+$0x7F90]  }
.LBB2_7:
0x16a: {  	_ =	sdelay $0x2  }
0x16b: {  	p0 =	sne.s32 s13, $0x8000  }
0x16c: {  	s31 =	sadd.s32 $0x10, s31;
	s9 =	smov.u32 s13;
	s13 =	sadd.s32 $0x2000, s13;
	[tilespmem:s12+$0xCF90] =	vst v0  }
0x16d: {  	v0 =	vld [tilespmem:s31+$0x0];
	_ =	sdelay $0x4  }
0x16e: {  	v0 =	vshll.u32 v0, $0x5  }
0x16f: {  	s12 =	sshra.s32 s9, $0x2;
	v0 =	vand.u32 $0x60, v0  }
0x170: {  	v0 =	vadd.s32 s12, v0  }
0x171: {  	(v2sf) =	vpush v0, $0x0;
	_ =	sdelay $0xb  }
0x172: {  	(v2sf) =	vpush v0, $0x1;
	_ =	sdelay $0x2  }
0x173: {  	s9 =	spop (v2sf)  }
0x174: {  	v1 =	vld [tilespmem:s9+$0x7800];
	_ =	sdelay $0x4  }
0x175: {  	[tilespmem:s12+$0xC800] =	vst v1  }
0x176: {  	v1 =	vld [tilespmem:s9+$0x7810];
	_ =	sdelay $0x1  }
0x177: {  	(v2sf) =	vpush v0, $0x2;
	_ =	sdelay $0x2  }
0x178: {  	[tilespmem:s12+$0xC810] =	vst v1;
	s9 =	spop (v2sf)  }
0x179: {  	v1 =	vld [tilespmem:s9+$0x7880];
	_ =	sdelay $0x4  }
0x17a: {  	[tilespmem:s12+$0xC880] =	vst v1  }
0x17b: {  	v1 =	vld [tilespmem:s9+$0x7890];
	_ =	sdelay $0x1  }
0x17c: {  	(v2sf) =	vpush v0, $0x3;
	_ =	sdelay $0x2  }
0x17d: {  	[tilespmem:s12+$0xC890] =	vst v1;
	s9 =	spop (v2sf)  }
0x17e: {  	v1 =	vld [tilespmem:s9+$0x7900];
	_ =	sdelay $0x4  }
0x17f: {  	[tilespmem:s12+$0xC900] =	vst v1  }
0x180: {  	v1 =	vld [tilespmem:s9+$0x7910];
	_ =	sdelay $0x1  }
0x181: {  	(v2sf) =	vpush v0, $0x4;
	_ =	sdelay $0x2  }
0x182: {  	[tilespmem:s12+$0xC910] =	vst v1;
	s9 =	spop (v2sf)  }
0x183: {  	v1 =	vld [tilespmem:s9+$0x7980];
	_ =	sdelay $0x4  }
0x184: {  	[tilespmem:s12+$0xC980] =	vst v1  }
0x185: {  	v1 =	vld [tilespmem:s9+$0x7990];
	_ =	sdelay $0x1  }
0x186: {  	(v2sf) =	vpush v0, $0x5;
	_ =	sdelay $0x2  }
0x187: {  	[tilespmem:s12+$0xC990] =	vst v1;
	s9 =	spop (v2sf)  }
0x188: {  	v1 =	vld [tilespmem:s9+$0x7A00];
	_ =	sdelay $0x4  }
0x189: {  	[tilespmem:s12+$0xCA00] =	vst v1  }
0x18a: {  	v1 =	vld [tilespmem:s9+$0x7A10];
	_ =	sdelay $0x1  }
0x18b: {  	(v2sf) =	vpush v0, $0x6;
	_ =	sdelay $0x2  }
0x18c: {  	[tilespmem:s12+$0xCA10] =	vst v1;
	s9 =	spop (v2sf)  }
0x18d: {  	v1 =	vld [tilespmem:s9+$0x7A80];
	_ =	sdelay $0x4  }
0x18e: {  	[tilespmem:s12+$0xCA80] =	vst v1  }
0x18f: {  	v1 =	vld [tilespmem:s9+$0x7A90];
	_ =	sdelay $0x1  }
0x190: {  	(v2sf) =	vpush v0, $0x7;
	_ =	sdelay $0x2  }
0x191: {  	[tilespmem:s12+$0xCA90] =	vst v1;
	s9 =	spop (v2sf)  }
0x192: {  	v1 =	vld [tilespmem:s9+$0x7B00];
	_ =	sdelay $0x4  }
0x193: {  	[tilespmem:s12+$0xCB00] =	vst v1  }
0x194: {  	v1 =	vld [tilespmem:s9+$0x7B10];
	_ =	sdelay $0x1  }
0x195: {  	(v2sf) =	vpush v0, $0x8;
	_ =	sdelay $0x2  }
0x196: {  	[tilespmem:s12+$0xCB10] =	vst v1;
	s9 =	spop (v2sf)  }
0x197: {  	v1 =	vld [tilespmem:s9+$0x7B80];
	_ =	sdelay $0x4  }
0x198: {  	[tilespmem:s12+$0xCB80] =	vst v1  }
0x199: {  	v1 =	vld [tilespmem:s9+$0x7B90];
	_ =	sdelay $0x1  }
0x19a: {  	(v2sf) =	vpush v0, $0x9;
	_ =	sdelay $0x2  }
0x19b: {  	[tilespmem:s12+$0xCB90] =	vst v1;
	s9 =	spop (v2sf)  }
0x19c: {  	v1 =	vld [tilespmem:s9+$0x7C00];
	_ =	sdelay $0x4  }
0x19d: {  	[tilespmem:s12+$0xCC00] =	vst v1  }
0x19e: {  	v1 =	vld [tilespmem:s9+$0x7C10];
	_ =	sdelay $0x1  }
0x19f: {  	(v2sf) =	vpush v0, $0xA;
	_ =	sdelay $0x2  }
0x1a0: {  	[tilespmem:s12+$0xCC10] =	vst v1;
	s9 =	spop (v2sf)  }
0x1a1: {  	v1 =	vld [tilespmem:s9+$0x7C80];
	_ =	sdelay $0x4  }
0x1a2: {  	[tilespmem:s12+$0xCC80] =	vst v1  }
0x1a3: {  	v1 =	vld [tilespmem:s9+$0x7C90];
	_ =	sdelay $0x1  }
0x1a4: {  	(v2sf) =	vpush v0, $0xB;
	_ =	sdelay $0x2  }
0x1a5: {  	[tilespmem:s12+$0xCC90] =	vst v1;
	s9 =	spop (v2sf)  }
0x1a6: {  	v1 =	vld [tilespmem:s9+$0x7D00];
	_ =	sdelay $0x4  }
0x1a7: {  	[tilespmem:s12+$0xCD00] =	vst v1  }
0x1a8: {  	v1 =	vld [tilespmem:s9+$0x7D10];
	_ =	sdelay $0x1  }
0x1a9: {  	(v2sf) =	vpush v0, $0xC;
	_ =	sdelay $0x2  }
0x1aa: {  	[tilespmem:s12+$0xCD10] =	vst v1;
	s9 =	spop (v2sf)  }
0x1ab: {  	v1 =	vld [tilespmem:s9+$0x7D80];
	_ =	sdelay $0x4  }
0x1ac: {  	[tilespmem:s12+$0xCD80] =	vst v1  }
0x1ad: {  	v1 =	vld [tilespmem:s9+$0x7D90];
	_ =	sdelay $0x1  }
0x1ae: {  	(v2sf) =	vpush v0, $0xD;
	_ =	sdelay $0x2  }
0x1af: {  	[tilespmem:s12+$0xCD90] =	vst v1;
	s9 =	spop (v2sf)  }
0x1b0: {  	v1 =	vld [tilespmem:s9+$0x7E00];
	_ =	sdelay $0x4  }
0x1b1: {  	[tilespmem:s12+$0xCE00] =	vst v1  }
0x1b2: {  	v1 =	vld [tilespmem:s9+$0x7E10];
	_ =	sdelay $0x1  }
0x1b3: {  	(v2sf) =	vpush v0, $0xE;
	_ =	sdelay $0x2  }
0x1b4: {  	[tilespmem:s12+$0xCE10] =	vst v1;
	s9 =	spop (v2sf)  }
0x1b5: {  	v1 =	vld [tilespmem:s9+$0x7E80];
	_ =	sdelay $0x4  }
0x1b6: {  	[tilespmem:s12+$0xCE80] =	vst v1  }
0x1b7: {  	v1 =	vld [tilespmem:s9+$0x7E90];
	_ =	sdelay $0x1  }
0x1b8: {  	(v2sf) =	vpush v0, $0xF;
	_ =	sdelay $0x2  }
0x1b9: {  	[tilespmem:s12+$0xCE90] =	vst v1;
	s9 =	spop (v2sf)  }
0x1ba: {  	v0 =	vld [tilespmem:s9+$0x7F00];
	_ =	sdelay $0x4  }
0x1bb: {  	[tilespmem:s12+$0xCF00] =	vst v0  }
0x1bc: {  	v0 =	vld [tilespmem:s9+$0x7F10];
	_ =	sdelay $0x4  }
0x1bd: {  	[tilespmem:s12+$0xCF10] =	vst v0;
	s9 =	spop (v2sf)  }
0x1be: {  	v0 =	vld [tilespmem:s9+$0x7F80];
	_ =	sdelay $0x1  }
.Ltmp4:
0x1bf: {  	(pc) =	sbr.rel @p0 .LBB2_7-.Ltmp4, $3  }
0x1c0: {  	_ =	sdelay $0x1  }
0x1c1: {  	[tilespmem:s12+$0xCF80] =	vst v0  }
0x1c2: {  	v0 =	vld [tilespmem:s9+$0x7F90]  }
0x1c3: {  	s9 =	sshll.u32 s11, $0x2  }
0x1c4: {  	s9 =	sadd.s32 s5, s9  }
0x1c5: {  	s31 =	smul.u32 $0x180, s9;
	_ =	sdelay $0x1  }
0x1c6: {  	s9 =	smul.u32 $0xC00, s9;
	[tilespmem:s12+$0xCF90] =	vst v0;
	s13 =	sadd.s32 s4, s31  }
0x1c7: {  	[hbm4b:s13+s2] =	stream.linear.scatter [tilespmem:s21], [sflag:$0x4], $0xA00, $0x38;
	[tilespmem:$0xF000] =	vst v63  }
0x1c8: {  	s11 =	sadd.s32 s31, s7;
	s9 =	sshrl.u32 s9, $0x3  }
0x1c9: {  	[hbm4b:s11+s2] =	stream.linear.scatter [tilespmem:s22], [sflag:$0x4], $0xA00, $0x38;
	[tilespmem:$0xF000] =	vst v63  }
.Ltmp5:
0x1ca: {  	s9 =	sadd.s32 s4, s9;
	(pc) =	sbr.rel @p1 .LBB2_10-.Ltmp5, $4  }
0x1cb: {  	s31 =	sadd.s32 $0x300, s9  }
0x1cc: {  	[hbm4b:s31+s2] =	stream.linear.scatter [tilespmem:s23], [sflag:$0x4], $0xA00, $0x38;
	[tilespmem:$0xF000] =	vst v63  }
0x1cd: {  	s9 =	sadd.s32 $0x480, s9  }
0x1ce: {  	[hbm4b:s9+s2] =	stream.linear.scatter [tilespmem:s24], [sflag:$0x4], $0xA00, $0x38;
	[tilespmem:$0xF000] =	vst v63  }
.Ltmp6:
0x1cf: {  	(pc) =	sbr.rel .LBB2_4-.Ltmp6, $4  }
0x1d0: {  	_ = 	snop  }
0x1d1: {  	s1 =	sshra.s32 s1, $0x2;
	s0 =	sadd.s32 $0x1, s0  }
0x1d2: {  	s6 =	sadd.s32 $0xA0, s6;
	s30 =	sadd.s32 $0xA0, s30;
	s1 =	sadd.s32 $0x28F0, s1  }
0x1d3: {  	[tilespmem:s14], [sflag:$0x2] =	stream.indirect.gather [hbm4b:s3+s28], $0x80, s1, s28, $0xb8;
	[tilespmem:$0xF000] =	vst v63  }
.LBB2_11:
0x1d4: {  	_ =	sfence.sel $0x180000  }
0x1d5: {  	[bflag:$0x0] =	sbarrier.arrive $0xFFFF  }
0x1d6: {  	_ =	strace $0x90000047  }
0x1d7: {  	s0 =	stileid.u32;
	[bflag:$0x2] =	sbarrier.arrive $0xFFFF  }
0x1d8: {  	p0 =	sne.s32 s0, $0x0;
	s0 =	rddreg [dreg:$0x2]  }
0x1d9: {  	s0 =	sadd.s32 @!p0 $0x100000, s0  }
0x1da: {  	[sflag:s0] =	ssyncadd.tile.s32 @!p0 $0x1;
	_ =	shalt  }
.Lfunc_end2:
_tile_overlayer_lowered:
.L_overlay_start_2:
0x1db: {  	(tag) =	ssettag $0x2  }
0x1dc: {  	s0 =	rddreg [dreg:$0x0];
	s2 =	stileid.u32  }
0x1dd: {  	s1 =	rddreg [dreg:$0x1];
	p0 =	sne.s32 s2, $0x0  }
0x1de: {  	s3 =	rddreg [dreg:$0x2];
	[bflag:$0x3] =	sbarrier.arrive $0xFFFF;
	s2 =	simm.s32 @!p0 $0x1C05  }
0x1df: {  	[timem:s3], [sflag:s2] =	dma.local @!p0 [hbm:s0], s1  }
0x1e0: {  	s0 =	simm.s32 @!p0 $0x5  }
0x1e1: {  	_ =	swait.ge @!p0 [sflag:s0], s1  }
0x1e2: {  	s1 =	ssub.s32 @!p0 $0x0, s1;
	[sflag:s0] =	ssyncset.done @!p0 $0x0  }
0x1e3: {  	[sflag:s0] =	ssyncadd.s32 @!p0 s1  }
0x1e4: {  	[bflag:$0x3] =	sbarrier.arrive $0xFFFF  }
0x1e5: {  	_ =	shalt  }

</sc_bundles>
